<compile_context>
chip_gen: v7x
topology: tpu7x:2x2x1
jax: 0.10.2.dev20260603
libtpu: 0.0.44.dev20260713+nightly
codegen_flags: <defaults>
</compile_context>

<pallas_src>
import functools

import jax
import jax.numpy as jnp
from jax import lax
from jax.experimental import pallas as pl
from jax.experimental.pallas import tpu as pltpu
from jax.experimental.pallas import tpu_sc as plsc

V = 8192
BT = 8192
NC, NS, L = 2, 16, 16
NW = NC * NS
BPW = BT // NW
CH = 8
NCH = BPW // CH
LANE_CHUNKS = V // L


def _sc_body(tab_hbm, tabf_hbm, idx_hbm, tgt_hbm,
             out_logits, out_sumexp, out_tgt,
             idx_v, tgt_v, fidx_v, tvals_v, sums_v, buf, tsem):
    wid = lax.axis_index("s") * NC + lax.axis_index("c")
    base = wid * BPW

    pltpu.sync_copy(idx_hbm.at[pl.ds(base, BPW)], idx_v)
    pltpu.sync_copy(tgt_hbm.at[pl.ds(base, BPW)], tgt_v)

    def _fidx(k, carry):
        iv = idx_v[pl.ds(k * L, L)]
        tv = tgt_v[pl.ds(k * L, L)]
        fidx_v[pl.ds(k * L, L)] = iv * V + tv
        return carry

    lax.fori_loop(0, BPW // L, _fidx, 0)
    pltpu.async_copy(tabf_hbm.at[fidx_v], tvals_v, tsem).wait()
    pltpu.sync_copy(tvals_v, out_tgt.at[pl.ds(base, BPW)])

    lanes = lax.iota(jnp.int32, L)

    def _chunk(c, gsums):
        pltpu.sync_copy(tab_hbm.at[idx_v.at[pl.ds(c * CH, CH)]], buf)
        lanebase = (c % 2) * CH
        for j in range(CH):
            def _red(k, acc):
                return acc + jnp.exp(buf[j, pl.ds(k * L, L)])

            acc = lax.fori_loop(0, LANE_CHUNKS, _red,
                                jnp.zeros((L,), jnp.float32))
            gsums = jnp.where(lanes == lanebase + j, jnp.sum(acc), gsums)
        pltpu.sync_copy(buf, out_logits.at[pl.ds(base + c * CH, CH), :])

        @pl.when(c % 2 == 1)
        def _():
            sums_v[pl.ds((c // 2) * L, L)] = gsums

        return gsums

    lax.fori_loop(0, NCH, _chunk, jnp.zeros((L,), jnp.float32))
    pltpu.sync_copy(sums_v, out_sumexp.at[pl.ds(base, BPW)])


_sc_gather = functools.partial(
    pl.kernel,
    out_type=(
        jax.ShapeDtypeStruct((BT, V), jnp.float32),
        jax.ShapeDtypeStruct((BT,), jnp.float32),
        jax.ShapeDtypeStruct((BT,), jnp.float32),
    ),
    mesh=plsc.VectorSubcoreMesh(core_axis_name="c", subcore_axis_name="s"),
    compiler_params=pltpu.CompilerParams(needs_layout_passes=False),
    scratch_types=[
        pltpu.VMEM((BPW,), jnp.int32),
        pltpu.VMEM((BPW,), jnp.int32),
        pltpu.VMEM((BPW,), jnp.int32),
        pltpu.VMEM((BPW,), jnp.float32),
        pltpu.VMEM((BPW,), jnp.float32),
        pltpu.VMEM((CH, V), jnp.float32),
        pltpu.SemaphoreType.DMA,
    ],
)(_sc_body)


def _loss_body(se_ref, tv_ref, o_ref):
    se = se_ref[...]
    tv = tv_ref[...]
    o_ref[0, 0] = (jnp.sum(jnp.log(se)) - jnp.sum(tv)) * (1.0 / BT)


_loss = pl.pallas_call(
    _loss_body,
    out_shape=jax.ShapeDtypeStruct((1, 1), jnp.float32),
    out_specs=pl.BlockSpec(memory_space=pltpu.SMEM),
)


def kernel(idx, target, token_embedding_table):
    idx_f = idx.reshape(BT).astype(jnp.int32)
    tgt_f = target.reshape(BT).astype(jnp.int32)
    tab = token_embedding_table
    logits_flat, sumexp, tgtv = _sc_gather(tab, tab.reshape(V * V), idx_f, tgt_f)
    loss = _loss(sumexp.reshape(64, 128), tgtv.reshape(64, 128))[0, 0]
    return logits_flat.reshape(idx.shape[0], idx.shape[1], V), loss

# --- scband reference (transcript-rebuilt; emitter-appended) ---
"""Pipeline reference for scband-bigram-language-model-11596411699816 (READ-ONLY COPY).

The authoritative reference and input builder live on the scoring server;
editing this copy changes nothing except your own understanding.
"""

import jax, jax.numpy as jnp
import numpy as np

VOCAB = 8192
B, T = 8, 1024

def setup_inputs(seed: int = 0) -> dict:
    key = jax.random.key(seed)
    k1, k2, k3 = jax.random.split(key, 3)
    idx = jax.random.randint(k1, (B, T), 0, VOCAB)
    target = jax.random.randint(k2, (B, T), 0, VOCAB)
    token_embedding_table = jax.random.normal(k3, (VOCAB, VOCAB), dtype=jnp.float32) * 0.02
    return {"idx": idx, "target": target, "token_embedding_table": token_embedding_table}

def reference(idx, target, token_embedding_table):
    # logits = self.token_embedding_table(idx)
    logits = jnp.take(token_embedding_table, idx, axis=0)  # [B, T, C]
    Bq, Tq, C = logits.shape
    # F.cross_entropy(logits.view(B*T, C), target.view(B*T))
    logits_flat = logits.reshape(Bq * Tq, C)
    target_flat = target.reshape(Bq * Tq)
    logp = jax.nn.log_softmax(logits_flat, axis=-1)
    nll = -jnp.take_along_axis(logp, target_flat[:, None], axis=1)[:, 0]
    loss = jnp.mean(nll)
    return (logits, loss)

if __name__ == "__main__":
    import jax
    _d = setup_inputs()
    print(jax.jit(kernel)(*tuple(_d.values())))

</pallas_src>

<mosaic_0001>
#map = affine_map<(d0, d1) -> (0, 0)>
#map1 = affine_map<(d0, d1) -> (0)>
module attributes {stable_mosaic.version = 14 : i64} {
  func.func @_sc_body(%arg0: i32, %arg1: i32, %arg2: memref<8192x8192xf32, #tpu.memory_space<hbm>>, %arg3: memref<67108864xf32, #tpu.memory_space<hbm>>, %arg4: memref<8192xi32, #tpu.memory_space<hbm>>, %arg5: memref<8192xi32, #tpu.memory_space<hbm>>, %arg6: memref<8192x8192xf32, #tpu.memory_space<hbm>>, %arg7: memref<8192xf32, #tpu.memory_space<hbm>>, %arg8: memref<8192xf32, #tpu.memory_space<hbm>>, %arg9: memref<256xi32, #tpu.memory_space<vmem>>, %arg10: memref<256xi32, #tpu.memory_space<vmem>>, %arg11: memref<256xi32, #tpu.memory_space<vmem>>, %arg12: memref<256xf32, #tpu.memory_space<vmem>>, %arg13: memref<256xf32, #tpu.memory_space<vmem>>, %arg14: memref<8x8192xf32, #tpu.memory_space<vmem>>, %arg15: memref<!tpu.dma_semaphore, #tpu.memory_space<semaphore_mem>>) attributes {dimension_semantics = [#tpu.dimension_semantics<core_parallel>, #tpu.dimension_semantics<subcore_parallel>], iteration_bounds = array<i64: 2, 16>, scalar_prefetch = 0 : i64, scratch_operands = 7 : i64, tpu.core_type = #tpu.core_type<sc_vector_subcore>, window_params = [{transform_indices = #map}, {transform_indices = #map1}, {transform_indices = #map1}, {transform_indices = #map1}, {transform_indices = #map}, {transform_indices = #map1}, {transform_indices = #map1}]} {
    %mul3A = arith.constant 2 : i32
    %mul3A_0 = arith.muli %arg1, %mul3A : i32
    %add3A = arith.addi %mul3A_0, %arg0 : i32
    %mul3A_1 = arith.constant 256 : i32
    %mul3A_2 = arith.muli %add3A, %mul3A_1 : i32
    "tpu.region"() ({
      %run_scoped3A = tpu.sem_alloc : memref<!tpu.dma_semaphore, #tpu.memory_space<semaphore_mem>>
      %dma_start3A_17 = tpu.memref_slice %arg4[%mul3A_2] : memref<8192xi32, #tpu.memory_space<hbm>> -> memref<256xi32, #tpu.memory_space<hbm>>
      %dma_start3A_18 = tpu.memref_slice %arg4[%mul3A_2] : memref<8192xi32, #tpu.memory_space<hbm>> -> memref<256xi32, #tpu.memory_space<hbm>>
      tpu.enqueue_dma source(%dma_start3A_18 : memref<256xi32, #tpu.memory_space<hbm>>) target(%arg9 : memref<256xi32, #tpu.memory_space<vmem>>) target_semaphore(%run_scoped3A : memref<!tpu.dma_semaphore, #tpu.memory_space<semaphore_mem>>)
      %dma_wait3A_19 = tpu.memref_slice %arg4[%mul3A_2] : memref<8192xi32, #tpu.memory_space<hbm>> -> memref<256xi32, #tpu.memory_space<hbm>>
      %dma_wait3A_20 = tpu.memref_slice %arg4[%mul3A_2] : memref<8192xi32, #tpu.memory_space<hbm>> -> memref<256xi32, #tpu.memory_space<hbm>>
      tpu.wait_dma2 semaphore(%run_scoped3A : memref<!tpu.dma_semaphore, #tpu.memory_space<semaphore_mem>>) src(%dma_wait3A_20 : memref<256xi32, #tpu.memory_space<hbm>>) dst(%arg9 : memref<256xi32, #tpu.memory_space<vmem>>)
      tpu.yield
    }) : () -> ()
    "tpu.region"() ({
      %run_scoped3A = tpu.sem_alloc : memref<!tpu.dma_semaphore, #tpu.memory_space<semaphore_mem>>
      %dma_start3A_17 = tpu.memref_slice %arg5[%mul3A_2] : memref<8192xi32, #tpu.memory_space<hbm>> -> memref<256xi32, #tpu.memory_space<hbm>>
      %dma_start3A_18 = tpu.memref_slice %arg5[%mul3A_2] : memref<8192xi32, #tpu.memory_space<hbm>> -> memref<256xi32, #tpu.memory_space<hbm>>
      tpu.enqueue_dma source(%dma_start3A_18 : memref<256xi32, #tpu.memory_space<hbm>>) target(%arg10 : memref<256xi32, #tpu.memory_space<vmem>>) target_semaphore(%run_scoped3A : memref<!tpu.dma_semaphore, #tpu.memory_space<semaphore_mem>>)
      %dma_wait3A_19 = tpu.memref_slice %arg5[%mul3A_2] : memref<8192xi32, #tpu.memory_space<hbm>> -> memref<256xi32, #tpu.memory_space<hbm>>
      %dma_wait3A_20 = tpu.memref_slice %arg5[%mul3A_2] : memref<8192xi32, #tpu.memory_space<hbm>> -> memref<256xi32, #tpu.memory_space<hbm>>
      tpu.wait_dma2 semaphore(%run_scoped3A : memref<!tpu.dma_semaphore, #tpu.memory_space<semaphore_mem>>) src(%dma_wait3A_20 : memref<256xi32, #tpu.memory_space<hbm>>) dst(%arg10 : memref<256xi32, #tpu.memory_space<vmem>>)
      tpu.yield
    }) : () -> ()
    %scan3A = arith.constant 0 : i32
    %scan3A_3 = arith.constant 0 : i32
    %scan3A_4 = arith.constant 16 : i32
    %scan3A_5 = arith.addi %scan3A_3, %scan3A_4 : i32
    %scan3A_6 = arith.constant 1 : i32
    scf.for %scan3A_17 = %scan3A_3 to %scan3A_5 step %scan3A_6  : i32 {
      %mul3A_18 = arith.constant 16 : i32
      %mul3A_19 = arith.muli %scan3A_17, %mul3A_18 : i32
      %get3A = arith.index_cast %mul3A_19 : i32 to index
      %get3A_20 = tpu.vector_load %arg9[%get3A] {strides = array<i32>} : memref<256xi32, #tpu.memory_space<vmem>>, vector<16xi32>,
      %mul3A_21 = arith.constant 16 : i32
      %mul3A_22 = arith.muli %scan3A_17, %mul3A_21 : i32
      %get3A_23 = arith.index_cast %mul3A_22 : i32 to index
      %get3A_24 = tpu.vector_load %arg10[%get3A_23] {strides = array<i32>} : memref<256xi32, #tpu.memory_space<vmem>>, vector<16xi32>,
      %mul3A_25 = arith.constant 8192 : i32
      %mul3A_26 = vector.broadcast %mul3A_25 : i32 to vector<16xi32>
      %mul3A_27 = arith.muli %get3A_20, %mul3A_26 : vector<16xi32>
      %add3A_28 = arith.addi %mul3A_27, %get3A_24 : vector<16xi32>
      %mul3A_29 = arith.constant 16 : i32
      %mul3A_30 = arith.muli %scan3A_17, %mul3A_29 : i32
      %swap3A = arith.index_cast %mul3A_30 : i32 to index
      %swap3A_31 = tpu.vector_load %arg11[%swap3A] {strides = array<i32>} : memref<256xi32, #tpu.memory_space<vmem>>, vector<16xi32>,
      tpu.vector_store %arg11[%swap3A], %add3A_28 {strides = array<i32>} : memref<256xi32, #tpu.memory_space<vmem>>, vector<16xi32>,
    }
    %scan3A_7 = arith.constant 16 : i32
    %dma_start3A = arith.constant 0 : i32
    %dma_start3A_8 = tpu.memref_slice %arg3[%dma_start3A] : memref<67108864xf32, #tpu.memory_space<hbm>> -> memref<67108864xf32, #tpu.memory_space<hbm>>
    tpu.enqueue_indirect_dma source(%dma_start3A_8 : memref<67108864xf32, #tpu.memory_space<hbm>>) target(%arg12 : memref<256xf32, #tpu.memory_space<vmem>>) offsets(%arg11 : memref<256xi32, #tpu.memory_space<vmem>>) semaphore(%arg15 : memref<!tpu.dma_semaphore, #tpu.memory_space<semaphore_mem>>)
    %dma_wait3A = arith.constant 0 : i32
    %dma_wait3A_9 = tpu.memref_slice %arg3[%dma_wait3A] : memref<67108864xf32, #tpu.memory_space<hbm>> -> memref<67108864xf32, #tpu.memory_space<hbm>>
    tpu.wait_indirect_dma semaphore(%arg15 : memref<!tpu.dma_semaphore, #tpu.memory_space<semaphore_mem>>) src(%dma_wait3A_9 : memref<67108864xf32, #tpu.memory_space<hbm>>) dst(%arg12 : memref<256xf32, #tpu.memory_space<vmem>>)
    "tpu.region"() ({
      %run_scoped3A = tpu.sem_alloc : memref<!tpu.dma_semaphore, #tpu.memory_space<semaphore_mem>>
      %dma_start3A_17 = tpu.memref_slice %arg8[%mul3A_2] : memref<8192xf32, #tpu.memory_space<hbm>> -> memref<256xf32, #tpu.memory_space<hbm>>
      %dma_start3A_18 = tpu.memref_slice %arg8[%mul3A_2] : memref<8192xf32, #tpu.memory_space<hbm>> -> memref<256xf32, #tpu.memory_space<hbm>>
      tpu.enqueue_dma source(%arg12 : memref<256xf32, #tpu.memory_space<vmem>>) target(%dma_start3A_18 : memref<256xf32, #tpu.memory_space<hbm>>) target_semaphore(%run_scoped3A : memref<!tpu.dma_semaphore, #tpu.memory_space<semaphore_mem>>)
      %dma_wait3A_19 = tpu.memref_slice %arg8[%mul3A_2] : memref<8192xf32, #tpu.memory_space<hbm>> -> memref<256xf32, #tpu.memory_space<hbm>>
      %dma_wait3A_20 = tpu.memref_slice %arg8[%mul3A_2] : memref<8192xf32, #tpu.memory_space<hbm>> -> memref<256xf32, #tpu.memory_space<hbm>>
      tpu.wait_dma2 semaphore(%run_scoped3A : memref<!tpu.dma_semaphore, #tpu.memory_space<semaphore_mem>>) src(%arg12 : memref<256xf32, #tpu.memory_space<vmem>>) dst(%dma_wait3A_20 : memref<256xf32, #tpu.memory_space<hbm>>)
      tpu.yield
    }) : () -> ()
    %iota3A = tpu.iota {dimensions = array<i32: 0>} : vector<16xi32>
    %broadcast_in_dim3A = arith.constant 0.000000e+00 : f32
    %broadcast_in_dim3A_10 = vector.broadcast %broadcast_in_dim3A : f32 to vector<16xf32>
    %scan3A_11 = arith.constant 0 : i32
    %scan3A_12 = arith.constant 32 : i32
    %scan3A_13 = arith.addi %scan3A_11, %scan3A_12 : i32
    %scan3A_14 = arith.constant 1 : i32
    %scan3A_15 = scf.for %scan3A_17 = %scan3A_11 to %scan3A_13 step %scan3A_14 iter_args(%scan3A_18 = %broadcast_in_dim3A_10) -> (vector<16xf32>)  : i32 {
      %mul3A_19 = arith.constant 8 : i32
      %mul3A_20 = arith.muli %scan3A_17, %mul3A_19 : i32
      "tpu.region"() ({
        %run_scoped3A = tpu.sem_alloc : memref<!tpu.dma_semaphore, #tpu.memory_space<semaphore_mem>>
        %dma_start3A_197 = tpu.memref_slice %arg9[%mul3A_20] : memref<256xi32, #tpu.memory_space<vmem>> -> memref<8xi32, #tpu.memory_space<vmem>>
        %dma_start3A_198 = arith.constant 0 : i32
        %dma_start3A_199 = arith.constant 0 : i32
        %dma_start3A_200 = tpu.memref_slice %arg2[%dma_start3A_198, %dma_start3A_199] : memref<8192x8192xf32, #tpu.memory_space<hbm>> -> memref<8192x8192xf32, #tpu.memory_space<hbm>>
        tpu.enqueue_indirect_dma source(%dma_start3A_200 : memref<8192x8192xf32, #tpu.memory_space<hbm>>) target(%arg14 : memref<8x8192xf32, #tpu.memory_space<vmem>>) offsets(%dma_start3A_197 : memref<8xi32, #tpu.memory_space<vmem>>) semaphore(%run_scoped3A : memref<!tpu.dma_semaphore, #tpu.memory_space<semaphore_mem>>)
        %dma_wait3A_201 = tpu.memref_slice %arg9[%mul3A_20] : memref<256xi32, #tpu.memory_space<vmem>> -> memref<8xi32, #tpu.memory_space<vmem>>
        %dma_wait3A_202 = arith.constant 0 : i32
        %dma_wait3A_203 = arith.constant 0 : i32
        %dma_wait3A_204 = tpu.memref_slice %arg2[%dma_wait3A_202, %dma_wait3A_203] : memref<8192x8192xf32, #tpu.memory_space<hbm>> -> memref<8192x8192xf32, #tpu.memory_space<hbm>>
        tpu.wait_indirect_dma semaphore(%run_scoped3A : memref<!tpu.dma_semaphore, #tpu.memory_space<semaphore_mem>>) src(%dma_wait3A_204 : memref<8192x8192xf32, #tpu.memory_space<hbm>>) dst(%arg14 : memref<8x8192xf32, #tpu.memory_space<vmem>>)
        tpu.yield
      }) : () -> ()
      %jit3A = arith.constant 2 : i32
      %eq3A = arith.constant 0 : i32
      %eq3A_21 = arith.cmpi eq, %jit3A, %eq3A : i32
      %jit3A_22 = arith.constant 1 : i32
      %select_n3A = arith.select %eq3A_21, %jit3A_22, %jit3A : i32
      %rem3A = arith.remsi %scan3A_17, %select_n3A : i32
      %ne3A = arith.constant 0 : i32
      %ne3A_23 = arith.cmpi ne, %rem3A, %ne3A : i32
      %lt3A = arith.constant 0 : i32
      %lt3A_24 = arith.cmpi slt, %rem3A, %lt3A : i32
      %lt3A_25 = arith.constant 0 : i32
      %lt3A_26 = arith.cmpi slt, %select_n3A, %lt3A_25 : i32
      %ne3A_27 = arith.xori %lt3A_24, %lt3A_26 : i1
      %and3A = arith.andi %ne3A_27, %ne3A_23 : i1
      %add3A_28 = arith.addi %rem3A, %select_n3A : i32
      %select_n3A_29 = arith.select %and3A, %add3A_28, %rem3A : i32
      %mul3A_30 = arith.constant 8 : i32
      %mul3A_31 = arith.muli %select_n3A_29, %mul3A_30 : i32
      %broadcast_in_dim3A_32 = arith.constant 0.000000e+00 : f32
      %broadcast_in_dim3A_33 = vector.broadcast %broadcast_in_dim3A_32 : f32 to vector<16xf32>
      %scan3A_34 = arith.constant 0 : i32
      %scan3A_35 = arith.constant 512 : i32
      %scan3A_36 = arith.addi %scan3A_34, %scan3A_35 : i32
      %scan3A_37 = arith.constant 1 : i32
      %scan3A_38 = scf.for %scan3A_197 = %scan3A_34 to %scan3A_36 step %scan3A_37 iter_args(%scan3A_198 = %broadcast_in_dim3A_33) -> (vector<16xf32>)  : i32 {
        %mul3A_199 = arith.constant 16 : i32
        %mul3A_200 = arith.muli %scan3A_197, %mul3A_199 : i32
        %get3A = arith.constant 0 : i32
        %get3A_201 = arith.index_cast %get3A : i32 to index
        %get3A_202 = arith.index_cast %mul3A_200 : i32 to index
        %get3A_203 = tpu.vector_load %arg14[%get3A_201, %get3A_202] {strides = array<i32>} : memref<8x8192xf32, #tpu.memory_space<vmem>>, vector<16xf32>,
        %exp3A = math.exp %get3A_203 : vector<16xf32>
        %add3A_204 = arith.addf %scan3A_198, %exp3A : vector<16xf32>
        scf.yield %add3A_204 : vector<16xf32>
      }
      %scan3A_39 = arith.constant 512 : i32
      %add3A_40 = arith.constant 0 : i32
      %add3A_41 = arith.addi %mul3A_31, %add3A_40 : i32
      %eq3A_42 = vector.broadcast %add3A_41 : i32 to vector<16xi32>
      %eq3A_43 = arith.cmpi eq, %iota3A, %eq3A_42 : vector<16xi32>
      %reduce_sum3A = arith.constant true
      %reduce_sum3A_44 = vector.broadcast %reduce_sum3A : i1 to vector<16xi1>
      %reduce_sum3A_45 = tpu.scan <sum>, %scan3A_38 masked %reduce_sum3A_44 : vector<16xf32>, vector<16xi1> -> vector<16xf32>
      %reduce_sum3A_46 = vector.extract %reduce_sum3A_45[15] : f32 from vector<16xf32>
      %broadcast_in_dim3A_47 = vector.broadcast %reduce_sum3A_46 : f32 to vector<16xf32>
      %select_n3A_48 = arith.select %eq3A_43, %broadcast_in_dim3A_47, %scan3A_18 : vector<16xi1>, vector<16xf32>
      %broadcast_in_dim3A_49 = arith.constant 0.000000e+00 : f32
      %broadcast_in_dim3A_50 = vector.broadcast %broadcast_in_dim3A_49 : f32 to vector<16xf32>
      %scan3A_51 = arith.constant 0 : i32
      %scan3A_52 = arith.constant 512 : i32
      %scan3A_53 = arith.addi %scan3A_51, %scan3A_52 : i32
      %scan3A_54 = arith.constant 1 : i32
      %scan3A_55 = scf.for %scan3A_197 = %scan3A_51 to %scan3A_53 step %scan3A_54 iter_args(%scan3A_198 = %broadcast_in_dim3A_50) -> (vector<16xf32>)  : i32 {
        %mul3A_199 = arith.constant 16 : i32
        %mul3A_200 = arith.muli %scan3A_197, %mul3A_199 : i32
        %get3A = arith.constant 1 : i32
        %get3A_201 = arith.index_cast %get3A : i32 to index
        %get3A_202 = arith.index_cast %mul3A_200 : i32 to index
        %get3A_203 = tpu.vector_load %arg14[%get3A_201, %get3A_202] {strides = array<i32>} : memref<8x8192xf32, #tpu.memory_space<vmem>>, vector<16xf32>,
        %exp3A = math.exp %get3A_203 : vector<16xf32>
        %add3A_204 = arith.addf %scan3A_198, %exp3A : vector<16xf32>
        scf.yield %add3A_204 : vector<16xf32>
      }
      %scan3A_56 = arith.constant 512 : i32
      %add3A_57 = arith.constant 1 : i32
      %add3A_58 = arith.addi %mul3A_31, %add3A_57 : i32
      %eq3A_59 = vector.broadcast %add3A_58 : i32 to vector<16xi32>
      %eq3A_60 = arith.cmpi eq, %iota3A, %eq3A_59 : vector<16xi32>
      %reduce_sum3A_61 = arith.constant true
      %reduce_sum3A_62 = vector.broadcast %reduce_sum3A_61 : i1 to vector<16xi1>
      %reduce_sum3A_63 = tpu.scan <sum>, %scan3A_55 masked %reduce_sum3A_62 : vector<16xf32>, vector<16xi1> -> vector<16xf32>
      %reduce_sum3A_64 = vector.extract %reduce_sum3A_63[15] : f32 from vector<16xf32>
      %broadcast_in_dim3A_65 = vector.broadcast %reduce_sum3A_64 : f32 to vector<16xf32>
      %select_n3A_66 = arith.select %eq3A_60, %broadcast_in_dim3A_65, %select_n3A_48 : vector<16xi1>, vector<16xf32>
      %broadcast_in_dim3A_67 = arith.constant 0.000000e+00 : f32
      %broadcast_in_dim3A_68 = vector.broadcast %broadcast_in_dim3A_67 : f32 to vector<16xf32>
      %scan3A_69 = arith.constant 0 : i32
      %scan3A_70 = arith.constant 512 : i32
      %scan3A_71 = arith.addi %scan3A_69, %scan3A_70 : i32
      %scan3A_72 = arith.constant 1 : i32
      %scan3A_73 = scf.for %scan3A_197 = %scan3A_69 to %scan3A_71 step %scan3A_72 iter_args(%scan3A_198 = %broadcast_in_dim3A_68) -> (vector<16xf32>)  : i32 {
        %mul3A_199 = arith.constant 16 : i32
        %mul3A_200 = arith.muli %scan3A_197, %mul3A_199 : i32
        %get3A = arith.constant 2 : i32
        %get3A_201 = arith.index_cast %get3A : i32 to index
        %get3A_202 = arith.index_cast %mul3A_200 : i32 to index
        %get3A_203 = tpu.vector_load %arg14[%get3A_201, %get3A_202] {strides = array<i32>} : memref<8x8192xf32, #tpu.memory_space<vmem>>, vector<16xf32>,
        %exp3A = math.exp %get3A_203 : vector<16xf32>
        %add3A_204 = arith.addf %scan3A_198, %exp3A : vector<16xf32>
        scf.yield %add3A_204 : vector<16xf32>
      }
      %scan3A_74 = arith.constant 512 : i32
      %add3A_75 = arith.constant 2 : i32
      %add3A_76 = arith.addi %mul3A_31, %add3A_75 : i32
      %eq3A_77 = vector.broadcast %add3A_76 : i32 to vector<16xi32>
      %eq3A_78 = arith.cmpi eq, %iota3A, %eq3A_77 : vector<16xi32>
      %reduce_sum3A_79 = arith.constant true
      %reduce_sum3A_80 = vector.broadcast %reduce_sum3A_79 : i1 to vector<16xi1>
      %reduce_sum3A_81 = tpu.scan <sum>, %scan3A_73 masked %reduce_sum3A_80 : vector<16xf32>, vector<16xi1> -> vector<16xf32>
      %reduce_sum3A_82 = vector.extract %reduce_sum3A_81[15] : f32 from vector<16xf32>
      %broadcast_in_dim3A_83 = vector.broadcast %reduce_sum3A_82 : f32 to vector<16xf32>
      %select_n3A_84 = arith.select %eq3A_78, %broadcast_in_dim3A_83, %select_n3A_66 : vector<16xi1>, vector<16xf32>
      %broadcast_in_dim3A_85 = arith.constant 0.000000e+00 : f32
      %broadcast_in_dim3A_86 = vector.broadcast %broadcast_in_dim3A_85 : f32 to vector<16xf32>
      %scan3A_87 = arith.constant 0 : i32
      %scan3A_88 = arith.constant 512 : i32
      %scan3A_89 = arith.addi %scan3A_87, %scan3A_88 : i32
      %scan3A_90 = arith.constant 1 : i32
      %scan3A_91 = scf.for %scan3A_197 = %scan3A_87 to %scan3A_89 step %scan3A_90 iter_args(%scan3A_198 = %broadcast_in_dim3A_86) -> (vector<16xf32>)  : i32 {
        %mul3A_199 = arith.constant 16 : i32
        %mul3A_200 = arith.muli %scan3A_197, %mul3A_199 : i32
        %get3A = arith.constant 3 : i32
        %get3A_201 = arith.index_cast %get3A : i32 to index
        %get3A_202 = arith.index_cast %mul3A_200 : i32 to index
        %get3A_203 = tpu.vector_load %arg14[%get3A_201, %get3A_202] {strides = array<i32>} : memref<8x8192xf32, #tpu.memory_space<vmem>>, vector<16xf32>,
        %exp3A = math.exp %get3A_203 : vector<16xf32>
        %add3A_204 = arith.addf %scan3A_198, %exp3A : vector<16xf32>
        scf.yield %add3A_204 : vector<16xf32>
      }
      %scan3A_92 = arith.constant 512 : i32
      %add3A_93 = arith.constant 3 : i32
      %add3A_94 = arith.addi %mul3A_31, %add3A_93 : i32
      %eq3A_95 = vector.broadcast %add3A_94 : i32 to vector<16xi32>
      %eq3A_96 = arith.cmpi eq, %iota3A, %eq3A_95 : vector<16xi32>
      %reduce_sum3A_97 = arith.constant true
      %reduce_sum3A_98 = vector.broadcast %reduce_sum3A_97 : i1 to vector<16xi1>
      %reduce_sum3A_99 = tpu.scan <sum>, %scan3A_91 masked %reduce_sum3A_98 : vector<16xf32>, vector<16xi1> -> vector<16xf32>
      %reduce_sum3A_100 = vector.extract %reduce_sum3A_99[15] : f32 from vector<16xf32>
      %broadcast_in_dim3A_101 = vector.broadcast %reduce_sum3A_100 : f32 to vector<16xf32>
      %select_n3A_102 = arith.select %eq3A_96, %broadcast_in_dim3A_101, %select_n3A_84 : vector<16xi1>, vector<16xf32>
      %broadcast_in_dim3A_103 = arith.constant 0.000000e+00 : f32
      %broadcast_in_dim3A_104 = vector.broadcast %broadcast_in_dim3A_103 : f32 to vector<16xf32>
      %scan3A_105 = arith.constant 0 : i32
      %scan3A_106 = arith.constant 512 : i32
      %scan3A_107 = arith.addi %scan3A_105, %scan3A_106 : i32
      %scan3A_108 = arith.constant 1 : i32
      %scan3A_109 = scf.for %scan3A_197 = %scan3A_105 to %scan3A_107 step %scan3A_108 iter_args(%scan3A_198 = %broadcast_in_dim3A_104) -> (vector<16xf32>)  : i32 {
        %mul3A_199 = arith.constant 16 : i32
        %mul3A_200 = arith.muli %scan3A_197, %mul3A_199 : i32
        %get3A = arith.constant 4 : i32
        %get3A_201 = arith.index_cast %get3A : i32 to index
        %get3A_202 = arith.index_cast %mul3A_200 : i32 to index
        %get3A_203 = tpu.vector_load %arg14[%get3A_201, %get3A_202] {strides = array<i32>} : memref<8x8192xf32, #tpu.memory_space<vmem>>, vector<16xf32>,
        %exp3A = math.exp %get3A_203 : vector<16xf32>
        %add3A_204 = arith.addf %scan3A_198, %exp3A : vector<16xf32>
        scf.yield %add3A_204 : vector<16xf32>
      }
      %scan3A_110 = arith.constant 512 : i32
      %add3A_111 = arith.constant 4 : i32
      %add3A_112 = arith.addi %mul3A_31, %add3A_111 : i32
      %eq3A_113 = vector.broadcast %add3A_112 : i32 to vector<16xi32>
      %eq3A_114 = arith.cmpi eq, %iota3A, %eq3A_113 : vector<16xi32>
      %reduce_sum3A_115 = arith.constant true
      %reduce_sum3A_116 = vector.broadcast %reduce_sum3A_115 : i1 to vector<16xi1>
      %reduce_sum3A_117 = tpu.scan <sum>, %scan3A_109 masked %reduce_sum3A_116 : vector<16xf32>, vector<16xi1> -> vector<16xf32>
      %reduce_sum3A_118 = vector.extract %reduce_sum3A_117[15] : f32 from vector<16xf32>
      %broadcast_in_dim3A_119 = vector.broadcast %reduce_sum3A_118 : f32 to vector<16xf32>
      %select_n3A_120 = arith.select %eq3A_114, %broadcast_in_dim3A_119, %select_n3A_102 : vector<16xi1>, vector<16xf32>
      %broadcast_in_dim3A_121 = arith.constant 0.000000e+00 : f32
      %broadcast_in_dim3A_122 = vector.broadcast %broadcast_in_dim3A_121 : f32 to vector<16xf32>
      %scan3A_123 = arith.constant 0 : i32
      %scan3A_124 = arith.constant 512 : i32
      %scan3A_125 = arith.addi %scan3A_123, %scan3A_124 : i32
      %scan3A_126 = arith.constant 1 : i32
      %scan3A_127 = scf.for %scan3A_197 = %scan3A_123 to %scan3A_125 step %scan3A_126 iter_args(%scan3A_198 = %broadcast_in_dim3A_122) -> (vector<16xf32>)  : i32 {
        %mul3A_199 = arith.constant 16 : i32
        %mul3A_200 = arith.muli %scan3A_197, %mul3A_199 : i32
        %get3A = arith.constant 5 : i32
        %get3A_201 = arith.index_cast %get3A : i32 to index
        %get3A_202 = arith.index_cast %mul3A_200 : i32 to index
        %get3A_203 = tpu.vector_load %arg14[%get3A_201, %get3A_202] {strides = array<i32>} : memref<8x8192xf32, #tpu.memory_space<vmem>>, vector<16xf32>,
        %exp3A = math.exp %get3A_203 : vector<16xf32>
        %add3A_204 = arith.addf %scan3A_198, %exp3A : vector<16xf32>
        scf.yield %add3A_204 : vector<16xf32>
      }
      %scan3A_128 = arith.constant 512 : i32
      %add3A_129 = arith.constant 5 : i32
      %add3A_130 = arith.addi %mul3A_31, %add3A_129 : i32
      %eq3A_131 = vector.broadcast %add3A_130 : i32 to vector<16xi32>
      %eq3A_132 = arith.cmpi eq, %iota3A, %eq3A_131 : vector<16xi32>
      %reduce_sum3A_133 = arith.constant true
      %reduce_sum3A_134 = vector.broadcast %reduce_sum3A_133 : i1 to vector<16xi1>
      %reduce_sum3A_135 = tpu.scan <sum>, %scan3A_127 masked %reduce_sum3A_134 : vector<16xf32>, vector<16xi1> -> vector<16xf32>
      %reduce_sum3A_136 = vector.extract %reduce_sum3A_135[15] : f32 from vector<16xf32>
      %broadcast_in_dim3A_137 = vector.broadcast %reduce_sum3A_136 : f32 to vector<16xf32>
      %select_n3A_138 = arith.select %eq3A_132, %broadcast_in_dim3A_137, %select_n3A_120 : vector<16xi1>, vector<16xf32>
      %broadcast_in_dim3A_139 = arith.constant 0.000000e+00 : f32
      %broadcast_in_dim3A_140 = vector.broadcast %broadcast_in_dim3A_139 : f32 to vector<16xf32>
      %scan3A_141 = arith.constant 0 : i32
      %scan3A_142 = arith.constant 512 : i32
      %scan3A_143 = arith.addi %scan3A_141, %scan3A_142 : i32
      %scan3A_144 = arith.constant 1 : i32
      %scan3A_145 = scf.for %scan3A_197 = %scan3A_141 to %scan3A_143 step %scan3A_144 iter_args(%scan3A_198 = %broadcast_in_dim3A_140) -> (vector<16xf32>)  : i32 {
        %mul3A_199 = arith.constant 16 : i32
        %mul3A_200 = arith.muli %scan3A_197, %mul3A_199 : i32
        %get3A = arith.constant 6 : i32
        %get3A_201 = arith.index_cast %get3A : i32 to index
        %get3A_202 = arith.index_cast %mul3A_200 : i32 to index
        %get3A_203 = tpu.vector_load %arg14[%get3A_201, %get3A_202] {strides = array<i32>} : memref<8x8192xf32, #tpu.memory_space<vmem>>, vector<16xf32>,
        %exp3A = math.exp %get3A_203 : vector<16xf32>
        %add3A_204 = arith.addf %scan3A_198, %exp3A : vector<16xf32>
        scf.yield %add3A_204 : vector<16xf32>
      }
      %scan3A_146 = arith.constant 512 : i32
      %add3A_147 = arith.constant 6 : i32
      %add3A_148 = arith.addi %mul3A_31, %add3A_147 : i32
      %eq3A_149 = vector.broadcast %add3A_148 : i32 to vector<16xi32>
      %eq3A_150 = arith.cmpi eq, %iota3A, %eq3A_149 : vector<16xi32>
      %reduce_sum3A_151 = arith.constant true
      %reduce_sum3A_152 = vector.broadcast %reduce_sum3A_151 : i1 to vector<16xi1>
      %reduce_sum3A_153 = tpu.scan <sum>, %scan3A_145 masked %reduce_sum3A_152 : vector<16xf32>, vector<16xi1> -> vector<16xf32>
      %reduce_sum3A_154 = vector.extract %reduce_sum3A_153[15] : f32 from vector<16xf32>
      %broadcast_in_dim3A_155 = vector.broadcast %reduce_sum3A_154 : f32 to vector<16xf32>
      %select_n3A_156 = arith.select %eq3A_150, %broadcast_in_dim3A_155, %select_n3A_138 : vector<16xi1>, vector<16xf32>
      %broadcast_in_dim3A_157 = arith.constant 0.000000e+00 : f32
      %broadcast_in_dim3A_158 = vector.broadcast %broadcast_in_dim3A_157 : f32 to vector<16xf32>
      %scan3A_159 = arith.constant 0 : i32
      %scan3A_160 = arith.constant 512 : i32
      %scan3A_161 = arith.addi %scan3A_159, %scan3A_160 : i32
      %scan3A_162 = arith.constant 1 : i32
      %scan3A_163 = scf.for %scan3A_197 = %scan3A_159 to %scan3A_161 step %scan3A_162 iter_args(%scan3A_198 = %broadcast_in_dim3A_158) -> (vector<16xf32>)  : i32 {
        %mul3A_199 = arith.constant 16 : i32
        %mul3A_200 = arith.muli %scan3A_197, %mul3A_199 : i32
        %get3A = arith.constant 7 : i32
        %get3A_201 = arith.index_cast %get3A : i32 to index
        %get3A_202 = arith.index_cast %mul3A_200 : i32 to index
        %get3A_203 = tpu.vector_load %arg14[%get3A_201, %get3A_202] {strides = array<i32>} : memref<8x8192xf32, #tpu.memory_space<vmem>>, vector<16xf32>,
        %exp3A = math.exp %get3A_203 : vector<16xf32>
        %add3A_204 = arith.addf %scan3A_198, %exp3A : vector<16xf32>
        scf.yield %add3A_204 : vector<16xf32>
      }
      %scan3A_164 = arith.constant 512 : i32
      %add3A_165 = arith.constant 7 : i32
      %add3A_166 = arith.addi %mul3A_31, %add3A_165 : i32
      %eq3A_167 = vector.broadcast %add3A_166 : i32 to vector<16xi32>
      %eq3A_168 = arith.cmpi eq, %iota3A, %eq3A_167 : vector<16xi32>
      %reduce_sum3A_169 = arith.constant true
      %reduce_sum3A_170 = vector.broadcast %reduce_sum3A_169 : i1 to vector<16xi1>
      %reduce_sum3A_171 = tpu.scan <sum>, %scan3A_163 masked %reduce_sum3A_170 : vector<16xf32>, vector<16xi1> -> vector<16xf32>
      %reduce_sum3A_172 = vector.extract %reduce_sum3A_171[15] : f32 from vector<16xf32>
      %broadcast_in_dim3A_173 = vector.broadcast %reduce_sum3A_172 : f32 to vector<16xf32>
      %select_n3A_174 = arith.select %eq3A_168, %broadcast_in_dim3A_173, %select_n3A_156 : vector<16xi1>, vector<16xf32>
      %mul3A_175 = arith.constant 8 : i32
      %mul3A_176 = arith.muli %scan3A_17, %mul3A_175 : i32
      %add3A_177 = arith.addi %mul3A_2, %mul3A_176 : i32
      "tpu.region"() ({
        %run_scoped3A = tpu.sem_alloc : memref<!tpu.dma_semaphore, #tpu.memory_space<semaphore_mem>>
        %dma_start3A_197 = arith.constant 0 : i32
        %dma_start3A_198 = tpu.memref_slice %arg6[%add3A_177, %dma_start3A_197] : memref<8192x8192xf32, #tpu.memory_space<hbm>> -> memref<8x8192xf32, #tpu.memory_space<hbm>>
        %dma_start3A_199 = arith.constant 0 : i32
        %dma_start3A_200 = tpu.memref_slice %arg6[%add3A_177, %dma_start3A_199] : memref<8192x8192xf32, #tpu.memory_space<hbm>> -> memref<8x8192xf32, #tpu.memory_space<hbm>>
        tpu.enqueue_dma source(%arg14 : memref<8x8192xf32, #tpu.memory_space<vmem>>) target(%dma_start3A_200 : memref<8x8192xf32, #tpu.memory_space<hbm>>) target_semaphore(%run_scoped3A : memref<!tpu.dma_semaphore, #tpu.memory_space<semaphore_mem>>)
        %dma_wait3A_201 = arith.constant 0 : i32
        %dma_wait3A_202 = tpu.memref_slice %arg6[%add3A_177, %dma_wait3A_201] : memref<8192x8192xf32, #tpu.memory_space<hbm>> -> memref<8x8192xf32, #tpu.memory_space<hbm>>
        %dma_wait3A_203 = arith.constant 0 : i32
        %dma_wait3A_204 = tpu.memref_slice %arg6[%add3A_177, %dma_wait3A_203] : memref<8192x8192xf32, #tpu.memory_space<hbm>> -> memref<8x8192xf32, #tpu.memory_space<hbm>>
        tpu.wait_dma2 semaphore(%run_scoped3A : memref<!tpu.dma_semaphore, #tpu.memory_space<semaphore_mem>>) src(%arg14 : memref<8x8192xf32, #tpu.memory_space<vmem>>) dst(%dma_wait3A_204 : memref<8x8192xf32, #tpu.memory_space<hbm>>)
        tpu.yield
      }) : () -> ()
      %jit3A_178 = arith.constant 2 : i32
      %eq3A_179 = arith.constant 0 : i32
      %eq3A_180 = arith.cmpi eq, %jit3A_178, %eq3A_179 : i32
      %jit3A_181 = arith.constant 1 : i32
      %select_n3A_182 = arith.select %eq3A_180, %jit3A_181, %jit3A_178 : i32
      %rem3A_183 = arith.remsi %scan3A_17, %select_n3A_182 : i32
      %ne3A_184 = arith.constant 0 : i32
      %ne3A_185 = arith.cmpi ne, %rem3A_183, %ne3A_184 : i32
      %lt3A_186 = arith.constant 0 : i32
      %lt3A_187 = arith.cmpi slt, %rem3A_183, %lt3A_186 : i32
      %lt3A_188 = arith.constant 0 : i32
      %lt3A_189 = arith.cmpi slt, %select_n3A_182, %lt3A_188 : i32
      %ne3A_190 = arith.xori %lt3A_187, %lt3A_189 : i1
      %and3A_191 = arith.andi %ne3A_190, %ne3A_185 : i1
      %add3A_192 = arith.addi %rem3A_183, %select_n3A_182 : i32
      %select_n3A_193 = arith.select %and3A_191, %add3A_192, %rem3A_183 : i32
      %eq3A_194 = arith.constant 1 : i32
      %eq3A_195 = arith.cmpi eq, %select_n3A_193, %eq3A_194 : i32
      %convert_element_type3A = arith.extui %eq3A_195 : i1 to i32
      %cond3A = arith.constant 0 : i32
      %cond3A_196 = arith.cmpi ne, %convert_element_type3A, %cond3A : i32
      scf.if %cond3A_196 {
        %jit3A_197 = arith.constant 2 : i32
        %div3A = arith.divsi %scan3A_17, %jit3A_197 : i32
        %sign3A = arith.constant 0 : i32
        %sign3A_198 = arith.cmpi sgt, %scan3A_17, %sign3A : i32
        %sign3A_199 = arith.extui %sign3A_198 : i1 to i32
        %sign3A_200 = arith.constant 0 : i32
        %sign3A_201 = arith.cmpi slt, %scan3A_17, %sign3A_200 : i32
        %sign3A_202 = arith.extui %sign3A_201 : i1 to i32
        %sign3A_203 = arith.subi %sign3A_199, %sign3A_202 : i32
        %sign3A_204 = arith.constant 0 : i32
        %sign3A_205 = arith.cmpi sgt, %jit3A_197, %sign3A_204 : i32
        %sign3A_206 = arith.extui %sign3A_205 : i1 to i32
        %sign3A_207 = arith.constant 0 : i32
        %sign3A_208 = arith.cmpi slt, %jit3A_197, %sign3A_207 : i32
        %sign3A_209 = arith.extui %sign3A_208 : i1 to i32
        %sign3A_210 = arith.subi %sign3A_206, %sign3A_209 : i32
        %ne3A_211 = arith.cmpi ne, %sign3A_203, %sign3A_210 : i32
        %rem3A_212 = arith.remsi %scan3A_17, %jit3A_197 : i32
        %ne3A_213 = arith.constant 0 : i32
        %ne3A_214 = arith.cmpi ne, %rem3A_212, %ne3A_213 : i32
        %and3A_215 = arith.andi %ne3A_211, %ne3A_214 : i1
        %sub3A = arith.constant 1 : i32
        %sub3A_216 = arith.subi %div3A, %sub3A : i32
        %select_n3A_217 = arith.select %and3A_215, %sub3A_216, %div3A : i32
        %mul3A_218 = arith.constant 16 : i32
        %mul3A_219 = arith.muli %select_n3A_217, %mul3A_218 : i32
        %swap3A = arith.index_cast %mul3A_219 : i32 to index
        %swap3A_220 = tpu.vector_load %arg13[%swap3A] {strides = array<i32>} : memref<256xf32, #tpu.memory_space<vmem>>, vector<16xf32>,
        tpu.vector_store %arg13[%swap3A], %select_n3A_174 {strides = array<i32>} : memref<256xf32, #tpu.memory_space<vmem>>, vector<16xf32>,
      } else {
      }
      scf.yield %select_n3A_174 : vector<16xf32>
    }
    %scan3A_16 = arith.constant 32 : i32
    "tpu.region"() ({
      %run_scoped3A = tpu.sem_alloc : memref<!tpu.dma_semaphore, #tpu.memory_space<semaphore_mem>>
      %dma_start3A_17 = tpu.memref_slice %arg7[%mul3A_2] : memref<8192xf32, #tpu.memory_space<hbm>> -> memref<256xf32, #tpu.memory_space<hbm>>
      %dma_start3A_18 = tpu.memref_slice %arg7[%mul3A_2] : memref<8192xf32, #tpu.memory_space<hbm>> -> memref<256xf32, #tpu.memory_space<hbm>>
      tpu.enqueue_dma source(%arg13 : memref<256xf32, #tpu.memory_space<vmem>>) target(%dma_start3A_18 : memref<256xf32, #tpu.memory_space<hbm>>) target_semaphore(%run_scoped3A : memref<!tpu.dma_semaphore, #tpu.memory_space<semaphore_mem>>)
      %dma_wait3A_19 = tpu.memref_slice %arg7[%mul3A_2] : memref<8192xf32, #tpu.memory_space<hbm>> -> memref<256xf32, #tpu.memory_space<hbm>>
      %dma_wait3A_20 = tpu.memref_slice %arg7[%mul3A_2] : memref<8192xf32, #tpu.memory_space<hbm>> -> memref<256xf32, #tpu.memory_space<hbm>>
      tpu.wait_dma2 semaphore(%run_scoped3A : memref<!tpu.dma_semaphore, #tpu.memory_space<semaphore_mem>>) src(%arg13 : memref<256xf32, #tpu.memory_space<vmem>>) dst(%dma_wait3A_20 : memref<256xf32, #tpu.memory_space<hbm>>)
      tpu.yield
    }) : () -> ()
    return
  }
}

module attributes {stable_mosaic.version = 14 : i64} {
  func.func @_loss_body(%arg0: memref<64x128xf32, #tpu.memory_space<vmem>>, %arg1: memref<64x128xf32, #tpu.memory_space<vmem>>, %arg2: memref<1x1xf32, #tpu.memory_space<smem>>) attributes {dimension_semantics = [], scalar_prefetch = 0 : i64, scratch_operands = 0 : i64, tpu.core_type = #tpu.core_type<tc>} {
    %get3A = arith.constant 0 : index
    %get3A_0 = arith.constant 0 : index
    %get3A_1 = vector.load %arg0[%get3A, %get3A_0] : memref<64x128xf32, #tpu.memory_space<vmem>>, vector<64x128xf32>
    %get3A_2 = arith.constant 0 : index
    %get3A_3 = arith.constant 0 : index
    %get3A_4 = vector.load %arg1[%get3A_2, %get3A_3] : memref<64x128xf32, #tpu.memory_space<vmem>>, vector<64x128xf32>
    %log3A = math.log %get3A_1 : vector<64x128xf32>
    %reduce_sum3A = vector.shape_cast %log3A : vector<64x128xf32> to vector<1x64x128xf32>
    %reduce_sum3A_5 = arith.constant dense<0.000000e+00> : vector<1xf32>
    %reduce_sum3A_6 = vector.multi_reduction <add>, %reduce_sum3A, %reduce_sum3A_5 [1, 2] : vector<1x64x128xf32> to vector<1xf32>
    %reduce_sum3A_7 = vector.shape_cast %reduce_sum3A_6 : vector<1xf32> to vector<1x1x1xf32>
    %reduce_sum3A_8 = vector.extract %reduce_sum3A_7[0, 0, 0] : f32 from vector<1x1x1xf32>
    %reduce_sum3A_9 = vector.shape_cast %get3A_4 : vector<64x128xf32> to vector<1x64x128xf32>
    %reduce_sum3A_10 = arith.constant dense<0.000000e+00> : vector<1xf32>
    %reduce_sum3A_11 = vector.multi_reduction <add>, %reduce_sum3A_9, %reduce_sum3A_10 [1, 2] : vector<1x64x128xf32> to vector<1xf32>
    %reduce_sum3A_12 = vector.shape_cast %reduce_sum3A_11 : vector<1xf32> to vector<1x1x1xf32>
    %reduce_sum3A_13 = vector.extract %reduce_sum3A_12[0, 0, 0] : f32 from vector<1x1x1xf32>
    %sub3A = arith.subf %reduce_sum3A_8, %reduce_sum3A_13 : f32
    %mul3A = arith.constant 1.22070313E-4 : f32
    %mul3A_14 = arith.mulf %sub3A, %mul3A : f32
    %swap3A = arith.constant 0 : index
    %swap3A_15 = arith.constant 0 : index
    %swap3A_16 = memref.load %arg2[%swap3A, %swap3A_15] : memref<1x1xf32, #tpu.memory_space<smem>>
    memref.store %mul3A_14, %arg2[%swap3A, %swap3A_15] : memref<1x1xf32, #tpu.memory_space<smem>>
    return
  }
}

</mosaic_0001>

<sc_bundles>
// kernel: kernel.4.cloned.1.call-start
scs
__scs_entry_jumppad:
0x0: {  	(pc) =	sbr.rel $0x88, $3  }
0x1: {  	(tag) =	ssettag $0x0;
	lr =	simm.s32 $0x1  }
0x2: {  	[smem:$0x3F9E] =	sst lr;
	_ =	strace $0xD0000000  }
0x3: {  	_ = 	snop  }
0x4: {  	_ = 	snop  }
0x5: {  	_ = 	snop  }
0x6: {  	_ = 	snop  }
0x7: {  	_ = 	snop  }
__scs_overlays_trampoline_lowered:
0x8: {  	[smem:$0x3FAD] =	sst s0  }
0x9: {  	[smem:$0x3FAE] =	sst s1  }
0xa: {  	[smem:$0x3FAF] =	sst s2  }
0xb: {  	[smem:$0x3FB0] =	sst s3  }
0xc: {  	[smem:$0x3FB1] =	sst s4  }
0xd: {  	[smem:$0x3FB2] =	sst s5  }
0xe: {  	[smem:$0x3FB3] =	sst s6  }
0xf: {  	[smem:$0x3FB4] =	sst s7  }
0x10: {  	[smem:$0x3FB5] =	sst s8  }
0x11: {  	[smem:$0x3FB6] =	sst s9;
	s0 =	simm.s32 @!p0 $0x0  }
0x12: {  	s1 =	sld [smem:$0x3F9C];
	s0 =	simm.s32 @p0 $0x1  }
0x13: {  	[smem:$0x3FB7] =	sst s0;
	s0 =	simm.s32 @!p1 $0x0  }
0x14: {  	s2 =	sld [smem:$0x3F9B];
	s0 =	simm.s32 @p1 $0x1  }
0x15: {  	[smem:$0x3FB8] =	sst s0;
	s0 =	simm.s32 @!p2 $0x0  }
0x16: {  	s3 =	sld [smem:$0x3FDB];
	s0 =	simm.s32 @p2 $0x1  }
0x17: {  	s4 =	simm.s32 $0x1BF5;
	[smem:$0x3FBA] =	sst s0  }
0x18: {  	s0 =	sld [smem:$0x3F9D];
	_ =	swait.ge [sflag:s4], $0x0  }
0x19: {  	s7 =	sld [smem:$0x3F9E]  }
0x1a: {  	s8 =	sadd.s32 $0xFFFFE003, lr  }
0x1b: {  	s9 =	sadd.s32 $0xFFFFFEF7, lr;
	s5 =	simm.s32 $0xFFFFFFFF;
	p2 =	slt.u32 s8, $0xFFFFF086  }
0x1c: {  	p1 =	slt.u32 s9, $0xF7A;
	s5 =	simm.s32 @!p2 $0x0  }
0x1d: {  	s5 =	simm.s32 @p1 $0x1;
	p0 =	seq.s32 s7, s2  }
0x1e: {  	s7 =	smul.u32 @!p0 $0xF7A, s2;
	p2 =	seq.s32 @!p0 s5, $0x0  }
0x1f: {  	s9 =	smul.u32 $0xF7A, s1;
	s8 =	simm.s32 @!p0 $0x1BF5;
	p2 =	por !p2, p0  }
0x20: {  	[sflag:s8] =	ssyncset.s32 @!p0 $0xFFFFF086;
	s6 =	sadd.s32 @!p0 s3, s7;
	s7 =	simm.s32 @!p0 $0x108  }
0x21: {  	s3 =	sadd.s32 s3, s9;
	s6 =	sadd.s32 @!p0 $0x88, s6;
	s7 =	simm.s32 @p2 $0x1082  }
0x22: {  	[simem:s7], [sflag:s8] =	dma.local @!p0 [hbm:s6], $0xF7A  }
0x23: {  	s9 =	sor.u32 $0xD0000000, s2;
	s6 =	simm.s32 $0x108;
	_ =	swait.ge @!p0 [sflag:s8], $0x0  }
0x24: {  	s3 =	sadd.s32 $0x88, s3;
	s6 =	simm.s32 @!p1 $0x1082;
	[sflag:s4] =	ssyncset.s32 $0xFFFFF086  }
0x25: {  	[simem:s6], [sflag:s4] =	dma.local [hbm:s3], $0xF7A  }
0x26: {  	[smem:$0x3F9E] =	sst s1;
	(tag) =	ssettag s2;
	_ =	strace s9  }
0x27: {  	s1 =	sld [smem:$0x3FAE]  }
0x28: {  	s2 =	sld [smem:$0x3FAF]  }
0x29: {  	s4 =	sld [smem:$0x3FB1]  }
0x2a: {  	p0 =	seq.s32 s5, $0x0;
	s5 =	sld [smem:$0x3FB2]  }
0x2b: {  	s6 =	sld [smem:$0x3FB3]  }
0x2c: {  	s7 =	sld [smem:$0x3FB4]  }
0x2d: {  	s3 =	simm.s32 $0x108;
	s8 =	sld [smem:$0x3FB5]  }
0x2e: {  	s3 =	simm.s32 @!p0 $0x1082;
	s9 =	sld [smem:$0x3FB6]  }
0x2f: {  	lr =	sadd.s32 s0, s3;
	s0 =	sld [smem:$0x3FAD]  }
0x30: {  	s3 =	sld [smem:$0x3FB0]  }
0x31: {  	[smem:$0x3FB9] =	sst s10  }
0x32: {  	s10 =	sld [smem:$0x3FB7];
	_ =	sdelay $0x3  }
0x33: {  	p0 =	seq.s32 s10, $0x1;
	s10 =	sld [smem:$0x3FB9];
	_ =	sdelay $0x3  }
0x34: {  	[smem:$0x3FB9] =	sst s10  }
0x35: {  	s10 =	sld [smem:$0x3FB8];
	_ =	sdelay $0x3  }
0x36: {  	p1 =	seq.s32 s10, $0x1;
	s10 =	sld [smem:$0x3FB9];
	_ =	sdelay $0x3  }
0x37: {  	[smem:$0x3FB9] =	sst s10  }
0x38: {  	s10 =	sld [smem:$0x3FBA]  }
0x39: {  	_ = 	snop;
	(pc) =	sbr.ind lr, $3  }
0x3a: {  	_ = 	snop  }
0x3b: {  	_ = 	snop  }
0x3c: {  	p2 =	seq.s32 s10, $0x1;
	s10 =	sld [smem:$0x3FB9]  }
0x3d: {  	_ =	shalt  }
0x3e: {  	_ =	shalt  }
0x3f: {  	_ =	shalt  }
0x40: {  	_ =	shalt  }
0x41: {  	_ =	shalt  }
0x42: {  	_ =	shalt  }
0x43: {  	_ =	shalt  }
0x44: {  	_ =	shalt  }
0x45: {  	_ =	shalt  }
0x46: {  	_ =	shalt  }
0x47: {  	_ =	shalt  }
0x48: {  	_ =	shalt  }
0x49: {  	_ =	shalt  }
0x4a: {  	_ =	shalt  }
0x4b: {  	_ =	shalt  }
0x4c: {  	_ =	shalt  }
0x4d: {  	_ =	shalt  }
0x4e: {  	_ =	shalt  }
0x4f: {  	_ =	shalt  }
0x50: {  	_ =	shalt  }
0x51: {  	_ =	shalt  }
0x52: {  	_ =	shalt  }
0x53: {  	_ =	shalt  }
0x54: {  	_ =	shalt  }
0x55: {  	_ =	shalt  }
0x56: {  	_ =	shalt  }
0x57: {  	_ =	shalt  }
0x58: {  	_ =	shalt  }
0x59: {  	_ =	shalt  }
0x5a: {  	_ =	shalt  }
0x5b: {  	_ =	shalt  }
0x5c: {  	_ =	shalt  }
0x5d: {  	_ =	shalt  }
0x5e: {  	_ =	shalt  }
0x5f: {  	_ =	shalt  }
0x60: {  	_ =	shalt  }
0x61: {  	_ =	shalt  }
0x62: {  	_ =	shalt  }
0x63: {  	_ =	shalt  }
0x64: {  	_ =	shalt  }
0x65: {  	_ =	shalt  }
0x66: {  	_ =	shalt  }
0x67: {  	_ =	shalt  }
0x68: {  	_ =	shalt  }
0x69: {  	_ =	shalt  }
0x6a: {  	_ =	shalt  }
0x6b: {  	_ =	shalt  }
0x6c: {  	_ =	shalt  }
0x6d: {  	_ =	shalt  }
0x6e: {  	_ =	shalt  }
0x6f: {  	_ =	shalt  }
0x70: {  	_ =	shalt  }
0x71: {  	_ =	shalt  }
0x72: {  	_ =	shalt  }
0x73: {  	_ =	shalt  }
0x74: {  	_ =	shalt  }
0x75: {  	_ =	shalt  }
0x76: {  	_ =	shalt  }
0x77: {  	_ =	shalt  }
0x78: {  	_ =	shalt  }
0x79: {  	_ =	shalt  }
0x7a: {  	_ =	shalt  }
0x7b: {  	_ =	shalt  }
0x7c: {  	_ =	shalt  }
0x7d: {  	_ =	shalt  }
0x7e: {  	_ =	shalt  }
0x7f: {  	_ =	shalt  }
0x80: {  	_ =	shalt  }
0x81: {  	_ =	shalt  }
0x82: {  	_ =	shalt  }
0x83: {  	_ =	shalt  }
0x84: {  	_ =	shalt  }
0x85: {  	_ =	shalt  }
0x86: {  	_ =	shalt  }
0x87: {  	_ =	shalt  }
.Lfunc_end0:
.L_simem_size_0:
called_computation.1_lowered:
.L_overlay_start_0:
0x88: {  	s2 =	sld [smem:$0x3FD9]  }
0x89: {  	s3 =	sld [smem:$0x3FFE];
	_ =	sdelay $0x1  }
0x8a: {  	s1 =	srdreg.scid  }
0x8b: {  	s0 =	sand.u32 $0x1, s1  }
0x8c: {  	s14 =	sshll.u32 s0, $0xA;
	s2 =	sadd.s32 s3, s2  }
0x8d: {  	s2 =	sadd.s32 s2, s14  }
0x8e: {  	[smem:$0x3FC5] =	sst s2  }
0x8f: {  	_ = 	snop  }
0x90: {  	s2 =	sld [smem:$0x3FD0];
	_ =	sdelay $0x2  }
0x91: {  	s4 =	simm.s32 $0xA;
	s5 =	simm.s32 $0x10;
	s15 =	sld [smem:$0x3FC7]  }
0x92: {  	[smem:s5], [sflag:s4] =	dma.local [hbm:s2], $0x1  }
0x93: {  	_ =	swait.eq [sflag:s4], $0x1  }
0x94: {  	[sflag:s4] =	ssyncset.done $0x0  }
0x95: {  	[sflag:s4] =	ssyncadd.s32 $0xFFFFFFFF  }
0x96: {  	s16 =	sld [smem:$0x10];
	(tm) =	ssettm $0x1  }
0x97: {  	s17 =	sld [smem:$0x3FFB];
	_ =	sdelay $0x3  }
0x98: {  	_ =	strace s17  }
0x99: {  	s4 =	sld [smem:$0x3FFC];
	_ =	sdelay $0x3  }
0x9a: {  	_ =	strace s4  }
0x9b: {  	s4 =	sld [smem:$0x3FFD];
	_ =	sdelay $0x3  }
0x9c: {  	_ =	strace s4  }
0x9d: {  	_ =	strace $0x8FFFFFFF  }
0x9e: {  	s18 =	sld [smem:$0x3FDB];
	_ =	sdelay $0x1  }
0x9f: {  	s19 =	simm.s32 $_scs_section_size  }
0xa0: {  	s6 =	simm.s32 $_size__tile_overlayer_lowered;
	s7 =	simm.s32 $_tile_overlayer_lowered  }
0xa1: {  	s22 =	simm.s32 $0x1BFF;
	s21 =	sshll.u32 s7, $0x1;
	s4 =	sadd.s32 s19, s18  }
0xa2: {  	s8 =	simm.s32 $0x0;
	s20 =	sshll.u32 s6, $0x1;
	s6 =	sadd.s32 s21, s4  }
0xa3: {  	[timem:s8], [sflag:s22] =	dma.local [hbm:s6], s20  }
0xa4: {  	_ =	swait.ge [sflag:s22], s20  }
0xa5: {  	s5 =	ssub.s32 $0x0, s20;
	[sflag:s22] =	ssyncset.done $0x0  }
0xa6: {  	[sflag:s22] =	ssyncadd.s32 s5;
	_ =	sdelay $0x1  }
0xa7: {  	s23 =	simm.s32 $0x1B8B  }
0xa8: {  	_ =	swait.ge [sflag:s23], $0x1  }
0xa9: {  	[sflag:s23] =	ssyncset.done $0x0  }
0xaa: {  	s25 =	simm.s32 $0x1B8E;
	s24 =	sld [smem:$0x3FFE];
	[sflag:s23] =	ssyncadd.s32 $0xFFFFFFFF  }
0xab: {  	s26 =	simm.s32 $execute0_lowered;
	[smem:$0x3FD2] =	sst s25  }
0xac: {  	s6 =	sshll.u32 s26, $0x1;
	_ =	strace $0x80000049;
	[dreg:$0x1] =	wrdreg $0xFFFFFFFF  }
0xad: {  	s28 =	simm.s32 $_size_execute0_lowered;
	s4 =	sadd.s32 s4, s6;
	[dreg:$0x0] =	wrdreg $0x0  }
0xae: {  	s6 =	sshll.u32 s28, $0x1;
	[dreg:$0x2] =	wrdreg s4  }
0xaf: {  	[dreg:$0x3] =	wrdreg s6  }
0xb0: {  	[dreg:$0x4] =	wrdreg $0xC0  }
0xb1: {  	_ =	task [dreg:s8], $0x5FFFF  }
0xb2: {  	[dreg:$0x1] =	wrdreg $0xFFFFFFFF  }
0xb3: {  	[dreg:$0x0] =	wrdreg $0x60  }
0xb4: {  	[dreg:$0x2] =	wrdreg s15  }
0xb5: {  	[dreg:$0x3] =	wrdreg s24  }
0xb6: {  	[dreg:$0x4] =	wrdreg s16  }
0xb7: {  	[dreg:$0x5] =	wrdreg $0x9  }
0xb8: {  	_ =	task.clear_ibuf [dreg:s8], $0x6FFFF;
	_ =	strace $0x90000049  }
0xb9: {  	s29 =	simm.s32 $0x9;
	_ =	strace $0x8000004B  }
0xba: {  	_ =	swait.ge [sflag:s29], $0x1  }
0xbb: {  	[sflag:s29] =	ssyncadd.s32 $0xFFFFFFFF  }
0xbc: {  	_ =	strace $0x9000004B  }
0xbd: {  	_ =	sfence  }
0xbe: {  	s30 =	sld [smem:$0x0];
	_ =	sdelay $0x2  }
0xbf: {  	s31 =	sshll.u32 s1, $0xD;
	s1 =	sshrl.u32 s1, $0x2  }
0xc0: {  	s3 =	sand.u32 $0x4000, s31;
	s1 =	sadd.s32 s1, s30  }
0xc1: {  	s0 =	sor.u32 s3, s0;
	s1 =	sshll.u32 s1, $0x11  }
0xc2: {  	s0 =	sor.u32 s1, s0  }
0xc3: {  	s0 =	sadd.s32 $0x8F2B, s0  }
0xc4: {  	[sflag:s0] =	ssyncadd.remote.s32 $0x1  }
0xc5: {  	_ =	sfence.sel $0xFFFF  }
0xc6: {  	[dreg:$0x0] =	wrdreg $0xFFFFFFFF;
	(pc) =	sbr.abs _section_cstart, $3  }
0xc7: {  	[dreg:$0x1] =	wrdreg $0xFFFFFFFF  }
0xc8: {  	_ =	task.clear_ibuf [dreg:s8], $0x2FFFF;
	_ =	strace $0x9FFFFFFF  }
0xc9: {  	(tm) =	ssettm $0x7FFFFFFF  }
tec
execute0_lowered:
.L_overlay_start_1:
0x0: {  	(tag) =	ssettag $0x1  }
0x1: {  	s5 =	rddreg [dreg:$0x0];
	s0 =	srdreg.scid  }
0x2: {  	s1 =	rddreg [dreg:$0x1];
	s2 =	stileid.u32  }
0x3: {  	s17 =	simm.s32 $0x0;
	s0 =	sand.u32 $0x1, s0;
	s2 =	sshll.u32 s2, $0x9  }
0x4: {  	[smem:$0x7FF] =	sst s17;
	s13 =	sadd.s32 $0x100, s5;
	s3 =	sshll.u32 s0, $0x8  }
0x5: {  	s14 =	sadd.s32 $0x200, s5;
	s15 =	sadd.s32 $0x300, s5;
	s2 =	sor.u32 s3, s2  }
0x6: {  	s16 =	sadd.s32 $0x400, s5;
	s18 =	sadd.s32 $0x500, s5;
	[dreg:$0x4] =	wrdreg s2  }
0x7: {  	s19 =	sadd.s32 $0x600, s5;
	_ =	strace $0x8000004A;
	[dreg:$0x9] =	wrdreg s13  }
0x8: {  	s20 =	sadd.s32 $0x700, s5;
	s21 =	sadd.s32 $0x800, s5;
	[dreg:$0xa] =	wrdreg s14  }
0x9: {  	s22 =	sadd.s32 $0x900, s5;
	s23 =	sadd.s32 $0xA00, s5;
	[dreg:$0xb] =	wrdreg s15  }
0xa: {  	s24 =	sadd.s32 $0xB00, s5;
	s25 =	sadd.s32 $0xC00, s5;
	[dreg:$0xc] =	wrdreg s16  }
0xb: {  	s28 =	sadd.s32 $0x1000, s5;
	s29 =	sadd.s32 $0x1100, s5;
	[dreg:$0xd] =	wrdreg s18  }
0xc: {  	s30 =	sadd.s32 $0x1200, s5;
	s31 =	sadd.s32 $0x1300, s5;
	[dreg:$0xe] =	wrdreg s19  }
0xd: {  	s6 =	sadd.s32 $0x1600, s5;
	s7 =	sadd.s32 $0x1700, s5;
	[dreg:$0xf] =	wrdreg s20  }
0xe: {  	s8 =	sadd.s32 $0x1800, s5;
	s0 =	ssub.s32 $0x2, s0;
	[dreg:$0x10] =	wrdreg s21  }
0xf: {  	s4 =	sadd.s32 $0x1E00, s5;
	s9 =	sshrl.u32 s0, $0x1;
	[dreg:$0x11] =	wrdreg s22  }
0x10: {  	s3 =	sadd.s32 $0x1C00, s5;
	s2 =	sshrl.u32 s2, $0x3;
	[dreg:$0x12] =	wrdreg s23  }
0x11: {  	s0 =	ssub.s32 s0, s9;
	s9 =	sadd.s32 $0x1900, s5;
	[dreg:$0x13] =	wrdreg s24  }
0x12: {  	s2 =	sadd.s32 s2, s1;
	s1 =	sadd.s32 $0x1600, s1;
	[dreg:$0x14] =	wrdreg s25  }
0x13: {  	s22 =	sadd.s32 $0xD00, s5;
	s23 =	sadd.s32 $0xE00, s5;
	s0 =	smax.u32 s0, $0x1  }
0x14: {  	s24 =	sadd.s32 $0x1A00, s5;
	s25 =	sadd.s32 $0x1B00, s5;
	[dreg:$0x5] =	wrdreg s1  }
0x15: {  	s15 =	simm.s32 $0x100;
	s10 =	sadd.s32 $0x801A00, s2;
	[dreg:$0x16] =	wrdreg s0  }
0x16: {  	s13 =	simm.s32 $0x0;
	s11 =	sadd.s32 $0x801600, s2;
	[dreg:$0x6] =	wrdreg s10  }
0x17: {  	s12 =	sadd.s32 $0x802200, s2;
	s26 =	sadd.s32 $0x801E00, s2;
	[dreg:$0x7] =	wrdreg s11  }
0x18: {  	v0 =	vlaneseq.u32;
	s2 =	sadd.s32 $0x1400, s5;
	s0 =	sadd.s32 $0x1500, s5;
	[dreg:$0x8] =	wrdreg s12  }
0x19: {  	v2 =	vshrl.u32 v0, $0x3;
	s1 =	sadd.s32 $0x1D00, s5;
	[dreg:$0x15] =	wrdreg s26;
	s26 =	sadd.s32 $0xF00, s5  }
0x1a: {  	vm0 =	vmmov $0xffff;
	v1 =	vand.u32 $0x7, v0;
	v2 =	vmul.u32 $0x8, v2;
	s5 =	sadd.s32 $0x1F00, s5;
	s10 =	simm.s32 $0x2;
	s11 =	simm.s32 $0x500  }
.LBB2_1:
0x1b: {  	[dreg:$0x17] =	wrdreg s13  }
0x1c: {  	s12 =	rddreg [dreg:$0x6]  }
0x1d: {  	[tilespmem:s17], [sflag:$0x2] =	stream.linear.gather [hbm4b:s12+s17], $0x100, $0x38;
	[tilespmem:$0x10500] =	vst v63  }
0x1e: {  	_ =	swait.ge [sflag:s10], $0x100  }
0x1f: {  	[sflag:s10] =	ssyncset.done $0x0  }
0x20: {  	s21 =	rddreg [dreg:$0x7];
	[sflag:s10] =	ssyncadd.s32 $0xFFFFFF00  }
0x21: {  	[tilespmem:s15], [sflag:$0x2] =	stream.linear.gather [hbm4b:s21+s17], $0x100, $0x38;
	[tilespmem:$0x10500] =	vst v63  }
0x22: {  	_ =	swait.ge [sflag:s10], $0x100  }
0x23: {  	[sflag:s10] =	ssyncset.done $0x0  }
0x24: {  	s12 =	simm.s32 $0x0;
	[sflag:s10] =	ssyncadd.s32 $0xFFFFFF00  }
0x25: {  	v3 =	vld [tilespmem:s12+$0x0]  }
0x26: {  	s13 =	simm.s32 $0x40;
	v4 =	vld [tilespmem:s12+$0x100]  }
.LBB2_2:
0x27: {  	p0 =	sne.s32 s13, $0x3C0  }
.Ltmp0:
0x28: {  	_ = 	snop;
	(pc) =	sbr.rel @p0 .LBB2_2-.Ltmp0, $4  }
0x29: {  	_ = 	snop  }
0x2a: {  	s14 =	sshra.s32 s13, $0x2;
	s13 =	sadd.s32 $0x40, s13;
	v5 =	vshll.u32 v3, $0xD  }
0x2b: {  	v3 =	vld [tilespmem:s14+$0x0];
	v5 =	vadd.s32 v4, v5  }
0x2c: {  	v4 =	vld [tilespmem:s14+$0x100];
	[tilespmem:s12+$0x200] =	vst v5;
	s12 =	smov.u32 s14  }
0x2d: {  	_ =	sdelay $0x2  }
0x2e: {  	v3 =	vshll.u32 v3, $0xD  }
0x2f: {  	s19 =	rddreg [dreg:$0x5];
	v3 =	vadd.s32 v4, v3  }
0x30: {  	s13 =	simm.s32 $0x200;
	s14 =	simm.s32 $0x300;
	s20 =	simm.s32 $0x1;
	[tilespmem:s12+$0x200] =	vst v3  }
0x31: {  	[tilespmem:s14], [sflag:$0x1] =	stream.indirect.gather [hbm4b:s19+s15], $0x1, s13, s15, $0xb8;
	[tilespmem:$0x10500] =	vst v63  }
0x32: {  	_ =	swait.ge [sflag:s20], $0x100  }
0x33: {  	[sflag:s20] =	ssyncset.done $0x0  }
0x34: {  	s12 =	simm.s32 $0x0;
	s21 =	rddreg [dreg:$0x8];
	[sflag:s20] =	ssyncadd.s32 $0xFFFFFF00  }
0x35: {  	[hbm4b:s21+s12] =	stream.linear.scatter [tilespmem:s14], [sflag:$0x2], $0x100, $0x38;
	[tilespmem:$0x10500] =	vst v63  }
0x36: {  	_ =	swait.ge [sflag:s10], $0x100  }
0x37: {  	[sflag:s10] =	ssyncset.done $0x0  }
0x38: {  	v3 =	vimm.f32 $0.0e+00;
	s13 =	simm.s32 $0x0;
	[sflag:s10] =	ssyncadd.s32 $0xFFFFFF00  }
.LBB2_4:
0x39: {  	s14 =	sshll.u32 s13, $0x3  }
0x3a: {  	v4 =	vld.msk [tilespmem:s14+$0x0], $0xff;
	_ =	sdelay $0x4  }
0x3b: {  	v5 =	vshll.u32 v4, $0x6  }
0x3c: {  	v4 =	vand.u32 $0x7, v4;
	v5 =	vand.u32 $0xFFFFFE00, v5  }
0x3d: {  	v4 =	vor.u32 v4, v5  }
0x3e: {  	v4 =	vperm.xlane v4, v1;
	_ =	sdelay $0x1  }
0x3f: {  	v4 =	vadd.s32 v2, v4;
	_ =	sdelay $0x3  }
0x40: {  	s15 =	rddreg [dreg:$0x0]  }
0x41: {  	[tilespmem:s11], [sflag:$0x2] =	stream.indirect_vreg.gather [hbm4b:s15+s12], $0x80, v4, vm0, $0xb8;
	[tilespmem:$0x10500] =	vst v63  }
0x42: {  	s19 =	rddreg [dreg:$0x9];
	s16 =	simm.s32 $0xD00  }
0x43: {  	[tilespmem:s16], [sflag:$0x2] =	stream.indirect_vreg.gather [hbm4b:s19+s12], $0x80, v4, vm0, $0xb8;
	[tilespmem:$0x10500] =	vst v63  }
0x44: {  	s20 =	rddreg [dreg:$0xa];
	s21 =	simm.s32 $0x1500  }
0x45: {  	[tilespmem:s21], [sflag:$0x2] =	stream.indirect_vreg.gather [hbm4b:s20+s12], $0x80, v4, vm0, $0xb8;
	[tilespmem:$0x10500] =	vst v63  }
0x46: {  	s17 =	simm.s32 $0x1D00;
	s16 =	rddreg [dreg:$0xb]  }
0x47: {  	[tilespmem:s17], [sflag:$0x2] =	stream.indirect_vreg.gather [hbm4b:s16+s12], $0x80, v4, vm0, $0xb8;
	[tilespmem:$0x10500] =	vst v63  }
0x48: {  	s18 =	rddreg [dreg:$0xc];
	s19 =	simm.s32 $0x2500  }
0x49: {  	[tilespmem:s19], [sflag:$0x2] =	stream.indirect_vreg.gather [hbm4b:s18+s12], $0x80, v4, vm0, $0xb8;
	[tilespmem:$0x10500] =	vst v63  }
0x4a: {  	s20 =	rddreg [dreg:$0xd];
	s21 =	simm.s32 $0x2D00  }
0x4b: {  	[tilespmem:s21], [sflag:$0x2] =	stream.indirect_vreg.gather [hbm4b:s20+s12], $0x80, v4, vm0, $0xb8;
	[tilespmem:$0x10500] =	vst v63  }
0x4c: {  	s16 =	rddreg [dreg:$0xe];
	s17 =	simm.s32 $0x3500  }
0x4d: {  	[tilespmem:s17], [sflag:$0x2] =	stream.indirect_vreg.gather [hbm4b:s16+s12], $0x80, v4, vm0, $0xb8;
	[tilespmem:$0x10500] =	vst v63  }
0x4e: {  	s18 =	rddreg [dreg:$0xf];
	s19 =	simm.s32 $0x3D00  }
0x4f: {  	[tilespmem:s19], [sflag:$0x2] =	stream.indirect_vreg.gather [hbm4b:s18+s12], $0x80, v4, vm0, $0xb8;
	[tilespmem:$0x10500] =	vst v63  }
0x50: {  	s20 =	rddreg [dreg:$0x10];
	s21 =	simm.s32 $0x4500  }
0x51: {  	[tilespmem:s21], [sflag:$0x2] =	stream.indirect_vreg.gather [hbm4b:s20+s12], $0x80, v4, vm0, $0xb8;
	[tilespmem:$0x10500] =	vst v63  }
0x52: {  	s16 =	rddreg [dreg:$0x11];
	s17 =	simm.s32 $0x4D00  }
0x53: {  	[tilespmem:s17], [sflag:$0x2] =	stream.indirect_vreg.gather [hbm4b:s16+s12], $0x80, v4, vm0, $0xb8;
	[tilespmem:$0x10500] =	vst v63  }
0x54: {  	s18 =	rddreg [dreg:$0x12];
	s19 =	simm.s32 $0x5500  }
0x55: {  	[tilespmem:s19], [sflag:$0x2] =	stream.indirect_vreg.gather [hbm4b:s18+s12], $0x80, v4, vm0, $0xb8;
	[tilespmem:$0x10500] =	vst v63  }
0x56: {  	s20 =	rddreg [dreg:$0x13];
	s21 =	simm.s32 $0x5D00  }
0x57: {  	[tilespmem:s21], [sflag:$0x2] =	stream.indirect_vreg.gather [hbm4b:s20+s12], $0x80, v4, vm0, $0xb8;
	[tilespmem:$0x10500] =	vst v63  }
0x58: {  	s17 =	rddreg [dreg:$0x14];
	s18 =	simm.s32 $0x6500  }
0x59: {  	[tilespmem:s18], [sflag:$0x2] =	stream.indirect_vreg.gather [hbm4b:s17+s12], $0x80, v4, vm0, $0xb8;
	[tilespmem:$0x10500] =	vst v63  }
0x5a: {  	s19 =	simm.s32 $0x6D00  }
0x5b: {  	[tilespmem:s19], [sflag:$0x2] =	stream.indirect_vreg.gather [hbm4b:s22+s12], $0x80, v4, vm0, $0xb8;
	[tilespmem:$0x10500] =	vst v63  }
0x5c: {  	s20 =	simm.s32 $0x7500  }
0x5d: {  	[tilespmem:s20], [sflag:$0x2] =	stream.indirect_vreg.gather [hbm4b:s23+s12], $0x80, v4, vm0, $0xb8;
	[tilespmem:$0x10500] =	vst v63  }
0x5e: {  	s21 =	simm.s32 $0x7D00  }
0x5f: {  	[tilespmem:s21], [sflag:$0x2] =	stream.indirect_vreg.gather [hbm4b:s26+s12], $0x80, v4, vm0, $0xb8;
	[tilespmem:$0x10500] =	vst v63  }
0x60: {  	s16 =	simm.s32 $0x8500  }
0x61: {  	[tilespmem:s16], [sflag:$0x2] =	stream.indirect_vreg.gather [hbm4b:s28+s12], $0x80, v4, vm0, $0xb8;
	[tilespmem:$0x10500] =	vst v63  }
0x62: {  	s17 =	simm.s32 $0x8D00  }
0x63: {  	[tilespmem:s17], [sflag:$0x2] =	stream.indirect_vreg.gather [hbm4b:s29+s12], $0x80, v4, vm0, $0xb8;
	[tilespmem:$0x10500] =	vst v63  }
0x64: {  	s18 =	simm.s32 $0x9500  }
0x65: {  	[tilespmem:s18], [sflag:$0x2] =	stream.indirect_vreg.gather [hbm4b:s30+s12], $0x80, v4, vm0, $0xb8;
	[tilespmem:$0x10500] =	vst v63  }
0x66: {  	s19 =	simm.s32 $0x9D00  }
0x67: {  	[tilespmem:s19], [sflag:$0x2] =	stream.indirect_vreg.gather [hbm4b:s31+s12], $0x80, v4, vm0, $0xb8;
	[tilespmem:$0x10500] =	vst v63  }
0x68: {  	s20 =	simm.s32 $0xA500  }
0x69: {  	[tilespmem:s20], [sflag:$0x2] =	stream.indirect_vreg.gather [hbm4b:s2+s12], $0x80, v4, vm0, $0xb8;
	[tilespmem:$0x10500] =	vst v63  }
0x6a: {  	s21 =	simm.s32 $0xAD00  }
0x6b: {  	[tilespmem:s21], [sflag:$0x2] =	stream.indirect_vreg.gather [hbm4b:s0+s12], $0x80, v4, vm0, $0xb8;
	[tilespmem:$0x10500] =	vst v63  }
0x6c: {  	s16 =	simm.s32 $0xB500  }
0x6d: {  	[tilespmem:s16], [sflag:$0x2] =	stream.indirect_vreg.gather [hbm4b:s6+s12], $0x80, v4, vm0, $0xb8;
	[tilespmem:$0x10500] =	vst v63  }
0x6e: {  	s17 =	simm.s32 $0xBD00  }
0x6f: {  	[tilespmem:s17], [sflag:$0x2] =	stream.indirect_vreg.gather [hbm4b:s7+s12], $0x80, v4, vm0, $0xb8;
	[tilespmem:$0x10500] =	vst v63  }
0x70: {  	s18 =	simm.s32 $0xC500  }
0x71: {  	[tilespmem:s18], [sflag:$0x2] =	stream.indirect_vreg.gather [hbm4b:s8+s12], $0x80, v4, vm0, $0xb8;
	[tilespmem:$0x10500] =	vst v63  }
0x72: {  	s19 =	simm.s32 $0xCD00  }
0x73: {  	[tilespmem:s19], [sflag:$0x2] =	stream.indirect_vreg.gather [hbm4b:s9+s12], $0x80, v4, vm0, $0xb8;
	[tilespmem:$0x10500] =	vst v63  }
0x74: {  	s20 =	simm.s32 $0xD500  }
0x75: {  	[tilespmem:s20], [sflag:$0x2] =	stream.indirect_vreg.gather [hbm4b:s24+s12], $0x80, v4, vm0, $0xb8;
	[tilespmem:$0x10500] =	vst v63  }
0x76: {  	s21 =	simm.s32 $0xDD00  }
0x77: {  	[tilespmem:s21], [sflag:$0x2] =	stream.indirect_vreg.gather [hbm4b:s25+s12], $0x80, v4, vm0, $0xb8;
	[tilespmem:$0x10500] =	vst v63  }
0x78: {  	s16 =	simm.s32 $0xE500  }
0x79: {  	[tilespmem:s16], [sflag:$0x2] =	stream.indirect_vreg.gather [hbm4b:s3+s12], $0x80, v4, vm0, $0xb8;
	[tilespmem:$0x10500] =	vst v63  }
0x7a: {  	s17 =	simm.s32 $0xED00  }
0x7b: {  	[tilespmem:s17], [sflag:$0x2] =	stream.indirect_vreg.gather [hbm4b:s1+s12], $0x80, v4, vm0, $0xb8;
	[tilespmem:$0x10500] =	vst v63  }
0x7c: {  	s18 =	simm.s32 $0xF500  }
0x7d: {  	[tilespmem:s18], [sflag:$0x2] =	stream.indirect_vreg.gather [hbm4b:s4+s12], $0x80, v4, vm0, $0xb8;
	[tilespmem:$0x10500] =	vst v63  }
0x7e: {  	s19 =	simm.s32 $0xFD00  }
0x7f: {  	[tilespmem:s19], [sflag:$0x2] =	stream.indirect_vreg.gather [hbm4b:s5+s12], $0x80, v4, vm0, $0xb8;
	[tilespmem:$0x10500] =	vst v63  }
0x80: {  	_ =	swait.ge [sflag:s10], $0x10000  }
0x81: {  	s20 =	sand.u32 $0x70, s12;
	s21 =	sand.u32 $0xFC00, s12;
	[sflag:s10] =	ssyncset.done $0x0  }
0x82: {  	s15 =	sor.u32 s20, s21;
	[sflag:s10] =	ssyncadd.s32 $0xFFFF0000  }
0x83: {  	s17 =	simm.s32 $0x10;
	s18 =	simm.s32 $0x80;
	v4 =	vld [tilespmem:s15+$0x500]  }
0x84: {  	s17 =	sand.u32 $0x70, s17;
	s16 =	sand.u32 $0xFC00, s18  }
0x85: {  	s19 =	sor.u32 s17, s16  }
0x86: {  	v5 =	vld [tilespmem:s19+$0x500];
	_ =	sdelay $0x1  }
0x87: {  	v4 =	vmul.f32 $1.442695020e+00, v4;
	_ =	sdelay $0x1  }
0x88: {  	(erf) = vpow2.f32 v4  }
0x89: {  	v6 =	vmul.f32 $1.442695020e+00, v5  }
0x8a: {  	s20 =	simm.s32 $0x20;
	s15 =	simm.s32 $0x100  }
0x8b: {  	s16 =	sand.u32 $0x70, s20;
	s21 =	sand.u32 $0xFC00, s15;
	(erf) = vpow2.f32 v6  }
0x8c: {  	s16 =	sor.u32 s16, s21  }
0x8d: {  	v5 =	vld [tilespmem:s16+$0x500]  }
0x8e: {  	s16 =	simm.s32 $0x30;
	v4 =	vimm.f32 $0.0e+00  }
.LBB2_5:
0x8f: {  	p0 =	sne.s32 s16, $0x1FF0  }
.Ltmp1:
0x90: {  	s17 =	sand.u32 $0x70, s16;
	s15 =	sadd.s32 $0x80, s15;
	(pc) =	sbr.rel @p0 .LBB2_5-.Ltmp1, $4  }
0x91: {  	s16 =	sadd.s32 $0x10, s16;
	s18 =	sand.u32 $0xFC00, s15;
	v6 =	vpop (erf)  }
0x92: {  	s17 =	sor.u32 s17, s18;
	v4 =	vadd.f32 v6, v4;
	v7 =	vmul.f32 $1.442695020e+00, v5  }
0x93: {  	v5 =	vld [tilespmem:s17+$0x500]  }
0x94: {  	(erf) = vpow2.f32 v7  }
0x95: {  	_ =	sdelay $0x1  }
0x96: {  	s15 =	simm.s32 $0x0  }
0x97: {  	s16 =	sand.u32 $0x70, s15;
	s15 =	sand.u32 $0xFC00, s15;
	v5 =	vmul.f32 $1.442695020e+00, v5  }
0x98: {  	s15 =	sor.u32 s16, s15  }
0x99: {  	s17 =	simm.s32 $0x10;
	s18 =	simm.s32 $0x80;
	(erf) = vpow2.f32 v5;
	v5 =	vld [tilespmem:s15+$0x580]  }
0x9a: {  	s19 =	sand.u32 $0x70, s17;
	s20 =	sand.u32 $0xFC00, s18  }
0x9b: {  	s17 =	sor.u32 s19, s20  }
0x9c: {  	v6 =	vld [tilespmem:s17+$0x580];
	_ =	sdelay $0x1  }
0x9d: {  	v5 =	vmul.f32 $1.442695020e+00, v5;
	_ =	sdelay $0x1  }
0x9e: {  	v7 =	vpop (erf);
	(erf) = vpow2.f32 v5  }
0x9f: {  	v4 =	vadd.f32 v7, v4;
	v8 =	vmul.f32 $1.442695020e+00, v6  }
0xa0: {  	s21 =	simm.s32 $0x20;
	s18 =	simm.s32 $0x100;
	v7 =	vpop (erf)  }
0xa1: {  	s16 =	sand.u32 $0x70, s21;
	s19 =	sand.u32 $0xFC00, s18;
	v4 =	vadd.f32 v7, v4;
	(erf) = vpow2.f32 v8  }
0xa2: {  	s20 =	sor.u32 s16, s19;
	v7 =	vpop (erf)  }
0xa3: {  	v4 =	vadd.f32 v7, v4;
	v7 =	vld [tilespmem:s20+$0x580]  }
0xa4: {  	s19 =	simm.s32 $0x30;
	v6 =	vimm.f32 $0.0e+00;
	v5 =	vimm.f32 $0.0e+00  }
.LBB2_7:
0xa5: {  	p0 =	sne.s32 s19, $0x1FF0  }
.Ltmp2:
0xa6: {  	s20 =	sand.u32 $0x70, s19;
	s18 =	sadd.s32 $0x80, s18;
	(pc) =	sbr.rel @p0 .LBB2_7-.Ltmp2, $4  }
0xa7: {  	s19 =	sadd.s32 $0x10, s19;
	s21 =	sand.u32 $0xFC00, s18;
	v8 =	vpop (erf)  }
0xa8: {  	s20 =	sor.u32 s20, s21;
	v5 =	vadd.f32 v8, v5;
	v9 =	vmul.f32 $1.442695020e+00, v7  }
0xa9: {  	v7 =	vld [tilespmem:s20+$0x580]  }
0xaa: {  	(erf) = vpow2.f32 v9  }
0xab: {  	_ =	sdelay $0x2  }
0xac: {  	v7 =	vmul.f32 $1.442695020e+00, v7;
	_ =	sdelay $0x1  }
0xad: {  	(erf) = vpow2.f32 v7;
	v7 =	vld [tilespmem:s15+$0x600];
	_ =	sdelay $0x2  }
0xae: {  	v8 =	vld [tilespmem:s17+$0x600];
	_ =	sdelay $0x1  }
0xaf: {  	v7 =	vmul.f32 $1.442695020e+00, v7;
	_ =	sdelay $0x1  }
0xb0: {  	v9 =	vpop (erf);
	(erf) = vpow2.f32 v7  }
0xb1: {  	v5 =	vadd.f32 v9, v5;
	v8 =	vmul.f32 $1.442695020e+00, v8  }
0xb2: {  	s15 =	simm.s32 $0x100;
	v63 =	vpop (erf)  }
0xb3: {  	s21 =	sand.u32 $0xFC00, s15;
	v5 =	vadd.f32 v63, v5;
	(erf) = vpow2.f32 v8  }
0xb4: {  	s17 =	sor.u32 s16, s21;
	v7 =	vpop (erf)  }
0xb5: {  	v5 =	vadd.f32 v7, v5;
	v7 =	vld [tilespmem:s17+$0x600]  }
0xb6: {  	s16 =	simm.s32 $0x30  }
.LBB2_9:
0xb7: {  	p0 =	sne.s32 s16, $0x1FF0  }
.Ltmp3:
0xb8: {  	s17 =	sand.u32 $0x70, s16;
	s15 =	sadd.s32 $0x80, s15;
	(pc) =	sbr.rel @p0 .LBB2_9-.Ltmp3, $4  }
0xb9: {  	s16 =	sadd.s32 $0x10, s16;
	s18 =	sand.u32 $0xFC00, s15;
	v8 =	vpop (erf)  }
0xba: {  	s17 =	sor.u32 s17, s18;
	v6 =	vadd.f32 v8, v6;
	v9 =	vmul.f32 $1.442695020e+00, v7  }
0xbb: {  	v7 =	vld [tilespmem:s17+$0x600]  }
0xbc: {  	(erf) = vpow2.f32 v9  }
0xbd: {  	_ =	sdelay $0x1  }
0xbe: {  	s15 =	simm.s32 $0x0  }
0xbf: {  	s16 =	sand.u32 $0x70, s15;
	s15 =	sand.u32 $0xFC00, s15;
	v7 =	vmul.f32 $1.442695020e+00, v7  }
0xc0: {  	s15 =	sor.u32 s16, s15  }
0xc1: {  	s17 =	simm.s32 $0x10;
	s18 =	simm.s32 $0x80;
	(erf) = vpow2.f32 v7;
	v7 =	vld [tilespmem:s15+$0x680]  }
0xc2: {  	s19 =	sand.u32 $0x70, s17;
	s20 =	sand.u32 $0xFC00, s18  }
0xc3: {  	s17 =	sor.u32 s19, s20  }
0xc4: {  	v8 =	vld [tilespmem:s17+$0x680];
	_ =	sdelay $0x1  }
0xc5: {  	v7 =	vmul.f32 $1.442695020e+00, v7;
	_ =	sdelay $0x1  }
0xc6: {  	v9 =	vpop (erf);
	(erf) = vpow2.f32 v7  }
0xc7: {  	v6 =	vadd.f32 v9, v6;
	v10 =	vmul.f32 $1.442695020e+00, v8  }
0xc8: {  	s21 =	simm.s32 $0x20;
	s18 =	simm.s32 $0x100;
	v9 =	vpop (erf)  }
0xc9: {  	s16 =	sand.u32 $0x70, s21;
	s19 =	sand.u32 $0xFC00, s18;
	v6 =	vadd.f32 v9, v6;
	(erf) = vpow2.f32 v10  }
0xca: {  	s20 =	sor.u32 s16, s19;
	v9 =	vpop (erf)  }
0xcb: {  	v6 =	vadd.f32 v9, v6;
	v9 =	vld [tilespmem:s20+$0x680]  }
0xcc: {  	s19 =	simm.s32 $0x30;
	v8 =	vimm.f32 $0.0e+00;
	v7 =	vimm.f32 $0.0e+00  }
.LBB2_11:
0xcd: {  	p0 =	sne.s32 s19, $0x1FF0  }
.Ltmp4:
0xce: {  	s20 =	sand.u32 $0x70, s19;
	s18 =	sadd.s32 $0x80, s18;
	(pc) =	sbr.rel @p0 .LBB2_11-.Ltmp4, $4  }
0xcf: {  	s19 =	sadd.s32 $0x10, s19;
	s21 =	sand.u32 $0xFC00, s18;
	v10 =	vpop (erf)  }
0xd0: {  	s20 =	sor.u32 s20, s21;
	v7 =	vadd.f32 v10, v7;
	v11 =	vmul.f32 $1.442695020e+00, v9  }
0xd1: {  	v9 =	vld [tilespmem:s20+$0x680]  }
0xd2: {  	(erf) = vpow2.f32 v11  }
0xd3: {  	_ =	sdelay $0x2  }
0xd4: {  	v9 =	vmul.f32 $1.442695020e+00, v9;
	_ =	sdelay $0x1  }
0xd5: {  	(erf) = vpow2.f32 v9;
	v9 =	vld [tilespmem:s15+$0x700];
	_ =	sdelay $0x2  }
0xd6: {  	v10 =	vld [tilespmem:s17+$0x700];
	_ =	sdelay $0x1  }
0xd7: {  	v9 =	vmul.f32 $1.442695020e+00, v9;
	_ =	sdelay $0x1  }
0xd8: {  	v11 =	vpop (erf);
	(erf) = vpow2.f32 v9  }
0xd9: {  	v7 =	vadd.f32 v11, v7;
	v10 =	vmul.f32 $1.442695020e+00, v10  }
0xda: {  	s15 =	simm.s32 $0x100;
	v11 =	vpop (erf)  }
0xdb: {  	s21 =	sand.u32 $0xFC00, s15;
	v7 =	vadd.f32 v11, v7;
	(erf) = vpow2.f32 v10  }
0xdc: {  	s17 =	sor.u32 s16, s21;
	v9 =	vpop (erf)  }
0xdd: {  	v7 =	vadd.f32 v9, v7;
	v9 =	vld [tilespmem:s17+$0x700]  }
0xde: {  	s16 =	simm.s32 $0x30  }
.LBB2_13:
0xdf: {  	p0 =	sne.s32 s16, $0x1FF0  }
.Ltmp5:
0xe0: {  	s17 =	sand.u32 $0x70, s16;
	s15 =	sadd.s32 $0x80, s15;
	(pc) =	sbr.rel @p0 .LBB2_13-.Ltmp5, $4  }
0xe1: {  	s16 =	sadd.s32 $0x10, s16;
	s18 =	sand.u32 $0xFC00, s15;
	v10 =	vpop (erf)  }
0xe2: {  	s17 =	sor.u32 s17, s18;
	v8 =	vadd.f32 v10, v8;
	v11 =	vmul.f32 $1.442695020e+00, v9  }
0xe3: {  	v9 =	vld [tilespmem:s17+$0x700]  }
0xe4: {  	(erf) = vpow2.f32 v11  }
0xe5: {  	_ =	sdelay $0x1  }
0xe6: {  	s15 =	simm.s32 $0x0  }
0xe7: {  	s16 =	sand.u32 $0x70, s15;
	s15 =	sand.u32 $0xFC00, s15;
	v9 =	vmul.f32 $1.442695020e+00, v9  }
0xe8: {  	s15 =	sor.u32 s16, s15  }
0xe9: {  	s17 =	simm.s32 $0x10;
	s18 =	simm.s32 $0x80;
	(erf) = vpow2.f32 v9;
	v9 =	vld [tilespmem:s15+$0x780]  }
0xea: {  	s19 =	sand.u32 $0x70, s17;
	s20 =	sand.u32 $0xFC00, s18  }
0xeb: {  	s17 =	sor.u32 s19, s20  }
0xec: {  	v10 =	vld [tilespmem:s17+$0x780];
	_ =	sdelay $0x1  }
0xed: {  	v9 =	vmul.f32 $1.442695020e+00, v9;
	_ =	sdelay $0x1  }
0xee: {  	v11 =	vpop (erf);
	(erf) = vpow2.f32 v9  }
0xef: {  	v8 =	vadd.f32 v11, v8;
	v12 =	vmul.f32 $1.442695020e+00, v10  }
0xf0: {  	s21 =	simm.s32 $0x20;
	s18 =	simm.s32 $0x100;
	v11 =	vpop (erf)  }
0xf1: {  	s16 =	sand.u32 $0x70, s21;
	s19 =	sand.u32 $0xFC00, s18;
	v8 =	vadd.f32 v11, v8;
	(erf) = vpow2.f32 v12  }
0xf2: {  	s20 =	sor.u32 s16, s19;
	v11 =	vpop (erf)  }
0xf3: {  	v8 =	vadd.f32 v11, v8;
	v11 =	vld [tilespmem:s20+$0x780]  }
0xf4: {  	s19 =	simm.s32 $0x30;
	v10 =	vimm.f32 $0.0e+00;
	v9 =	vimm.f32 $0.0e+00  }
.LBB2_15:
0xf5: {  	p0 =	sne.s32 s19, $0x1FF0  }
.Ltmp6:
0xf6: {  	s20 =	sand.u32 $0x70, s19;
	s18 =	sadd.s32 $0x80, s18;
	(pc) =	sbr.rel @p0 .LBB2_15-.Ltmp6, $4  }
0xf7: {  	s19 =	sadd.s32 $0x10, s19;
	s21 =	sand.u32 $0xFC00, s18;
	v12 =	vpop (erf)  }
0xf8: {  	s20 =	sor.u32 s20, s21;
	v9 =	vadd.f32 v12, v9;
	v13 =	vmul.f32 $1.442695020e+00, v11  }
0xf9: {  	v11 =	vld [tilespmem:s20+$0x780]  }
0xfa: {  	(erf) = vpow2.f32 v13  }
0xfb: {  	_ =	sdelay $0x2  }
0xfc: {  	v11 =	vmul.f32 $1.442695020e+00, v11;
	_ =	sdelay $0x1  }
0xfd: {  	(erf) = vpow2.f32 v11;
	v11 =	vld [tilespmem:s15+$0x800];
	_ =	sdelay $0x2  }
0xfe: {  	v12 =	vld [tilespmem:s17+$0x800];
	_ =	sdelay $0x1  }
0xff: {  	v11 =	vmul.f32 $1.442695020e+00, v11;
	_ =	sdelay $0x1  }
0x100: {  	v13 =	vpop (erf);
	(erf) = vpow2.f32 v11  }
0x101: {  	v9 =	vadd.f32 v13, v9;
	v12 =	vmul.f32 $1.442695020e+00, v12  }
0x102: {  	s15 =	simm.s32 $0x100;
	v63 =	vpop (erf)  }
0x103: {  	s21 =	sand.u32 $0xFC00, s15;
	v9 =	vadd.f32 v63, v9;
	(erf) = vpow2.f32 v12  }
0x104: {  	s17 =	sor.u32 s16, s21;
	v11 =	vpop (erf)  }
0x105: {  	v9 =	vadd.f32 v11, v9;
	v11 =	vld [tilespmem:s17+$0x800]  }
0x106: {  	s16 =	simm.s32 $0x30  }
.LBB2_17:
0x107: {  	p0 =	sne.s32 s16, $0x1FF0  }
.Ltmp7:
0x108: {  	s17 =	sand.u32 $0x70, s16;
	s15 =	sadd.s32 $0x80, s15;
	(pc) =	sbr.rel @p0 .LBB2_17-.Ltmp7, $4  }
0x109: {  	s16 =	sadd.s32 $0x10, s16;
	s18 =	sand.u32 $0xFC00, s15;
	v12 =	vpop (erf)  }
0x10a: {  	s17 =	sor.u32 s17, s18;
	v10 =	vadd.f32 v12, v10;
	v13 =	vmul.f32 $1.442695020e+00, v11  }
0x10b: {  	v11 =	vld [tilespmem:s17+$0x800]  }
0x10c: {  	(erf) = vpow2.f32 v13  }
0x10d: {  	s15 =	simm.s32 $0x0  }
0x10e: {  	s15 =	sand.u32 $0x7, s15  }
0x10f: {  	s15 =	sshll.u32 s15, $0x4  }
0x110: {  	s16 =	simm.s32 $0x1;
	v11 =	vmul.f32 $1.442695020e+00, v11;
	s15 =	sadd.s32 $0x0, s15  }
0x111: {  	s16 =	sand.u32 $0x7, s16;
	s15 =	sor.u32 $0x380, s15  }
0x112: {  	s16 =	sshll.u32 s16, $0x4;
	(erf) = vpow2.f32 v11;
	v11 =	vld [tilespmem:s15+$0x500]  }
0x113: {  	s16 =	sadd.s32 $0x80, s16  }
0x114: {  	s20 =	sor.u32 $0x380, s16  }
0x115: {  	v12 =	vld [tilespmem:s20+$0x500];
	_ =	sdelay $0x1  }
0x116: {  	v13 =	vpop (erf);
	v11 =	vmul.f32 $1.442695020e+00, v11  }
0x117: {  	v10 =	vadd.f32 v13, v10  }
0x118: {  	s21 =	simm.s32 $0x2;
	v13 =	vpop (erf);
	(erf) = vpow2.f32 v11  }
0x119: {  	s15 =	sand.u32 $0x7, s21;
	v10 =	vadd.f32 v13, v10;
	v13 =	vmul.f32 $1.442695020e+00, v12  }
0x11a: {  	s15 =	sshll.u32 s15, $0x4  }
0x11b: {  	s15 =	sadd.s32 $0x100, s15;
	(erf) = vpow2.f32 v13  }
0x11c: {  	s17 =	sor.u32 $0x380, s15;
	v12 =	vpop (erf)  }
0x11d: {  	v10 =	vadd.f32 v12, v10;
	v12 =	vld [tilespmem:s17+$0x500]  }
0x11e: {  	s16 =	simm.s32 $0x100;
	s15 =	simm.s32 $0x30;
	v11 =	vimm.f32 $0.0e+00;
	s17 =	simm.s32 $0x3  }
.LBB2_19:
0x11f: {  	s18 =	sand.u32 $0x7, s17;
	p0 =	sne.s32 s15, $0x1FF0;
	s15 =	sadd.s32 $0x10, s15  }
.Ltmp8:
0x120: {  	s16 =	sadd.s32 $0x80, s16;
	s18 =	sshll.u32 s18, $0x4;
	(pc) =	sbr.rel @p0 .LBB2_19-.Ltmp8, $4  }
0x121: {  	s18 =	sadd.s32 s18, s16;
	v13 =	vpop (erf)  }
0x122: {  	s18 =	sor.u32 $0x380, s18;
	v14 =	vmul.f32 $1.442695020e+00, v12;
	v11 =	vadd.f32 v13, v11  }
0x123: {  	v12 =	vld [tilespmem:s18+$0x500]  }
0x124: {  	s17 =	sadd.s32 $0x1, s17;
	(erf) = vpow2.f32 v14  }
0x125: {  	_ =	sdelay $0x2  }
0x126: {  	v12 =	vmul.f32 $1.442695020e+00, v12;
	_ =	sdelay $0x1  }
0x127: {  	(erf) = vpow2.f32 v12;
	_ =	sdelay $0x2  }
0x128: {  	(xrf2) =	vadd.scan.msk.f32 $0xffff, v4  }
0x129: {  	(xrf2) =	vadd.scan.msk.f32 $0xffff, v5  }
0x12a: {  	v4 =	vpop (erf)  }
0x12b: {  	v4 =	vadd.f32 v4, v11  }
0x12c: {  	(xrf2) =	vadd.scan.msk.f32 $0xffff, v6;
	v5 =	vpop (erf)  }
0x12d: {  	(xrf2) =	vadd.scan.msk.f32 $0xffff, v7;
	v4 =	vadd.f32 v5, v4  }
0x12e: {  	v5 =	vpop (erf)  }
0x12f: {  	(xrf2) =	vadd.scan.msk.f32 $0xffff, v8;
	v4 =	vadd.f32 v5, v4  }
0x130: {  	(xrf2) =	vadd.scan.msk.f32 $0xffff, v9  }
0x131: {  	s15 =	sand.u32 $0x1, s13  }
0x132: {  	s16 =	sshll.u32 s15, $0x3;
	(xrf2) =	vadd.scan.msk.f32 $0xffff, v10;
	v5, _, _ =	vpop (xrf2)  }
0x133: {  	v56 =	vmov s16;
	s17 =	sor.u32 $0x1, s16;
	v5 =	vbroadcast v5, $0xF;
	(xrf2) =	vadd.scan.msk.f32 $0xffff, v4;
	v4, _, _ =	vpop (xrf2)  }
0x134: {  	vm1 =	veq.s32 v56, v0;
	v57 =	vmov s17;
	v4 =	vbroadcast v4, $0xF  }
0x135: {  	s19 =	sor.u32 $0x2, s16;
	v3 =	vsel vm1, v5, v3;
	vm1 =	veq.s32 v57, v0  }
0x136: {  	s18 =	rddreg [dreg:$0x4];
	s20 =	sor.u32 $0x3, s16;
	v58, _, _ =	vpop (xrf2);
	v3 =	vsel vm1, v4, v3;
	v4 =	vmov s19  }
0x137: {  	s14 =	sadd.s32 s18, s14;
	p0 =	seq.s32 s15, $0x0;
	v5, _, _ =	vpop (xrf2);
	v59 =	vbroadcast v58, $0xF;
	vm1 =	veq.s32 v4, v0;
	v4 =	vmov s20  }
0x138: {  	s21 =	sor.u32 $0x4, s16;
	s14 =	sshll.u32 s14, $0xA;
	v5 =	vbroadcast v5, $0xF;
	s20 =	rddreg [dreg:$0x2]  }
0x139: {  	s17 =	simm.s32 $0x0;
	v60, _, _ =	vpop (xrf2);
	s19 =	sor.u32 $0x5, s16;
	v3 =	vsel vm1, v59, v3;
	vm1 =	veq.s32 v4, v0;
	s14 =	sadd.s32 s20, s14  }
0x13a: {  	v61 =	vbroadcast v60, $0xF;
	v3 =	vsel vm1, v5, v3;
	v5 =	vmov s21;
	[hbm4b:s14+s17] =	stream.linear.scatter [tilespmem:s11], [sflag:$0x2], $0x10000, $0x38;
	v4, _, _ =	vpop (xrf2);
	[tilespmem:$0x10500] =	vst v63  }
0x13b: {  	s14 =	sshll.u32 @!p0 s13, $0x3;
	s13 =	sadd.s32 $0x1, s13;
	vm1 =	veq.s32 v5, v0;
	v5 =	vmov s19;
	v4 =	vbroadcast v4, $0xF  }
0x13c: {  	s16 =	sor.u32 $0x6, s16;
	p1 =	sne.s32 s13, $0x20;
	v62, _, _ =	vpop (xrf2);
	v3 =	vsel vm1, v61, v3;
	vm1 =	veq.s32 v5, v0  }
.Ltmp9:
0x13d: {  	s21 =	sshllo.u32 s15, $0x3;
	v5 =	vbroadcast v62, $0xF;
	v63, _, _ =	vpop (xrf2);
	v3 =	vsel vm1, v4, v3;
	v4 =	vmov s16;
	(pc) =	sbr.rel @p1 .LBB2_4-.Ltmp9, $4  }
0x13e: {  	v6 =	vbroadcast v63, $0xF;
	_ =	swait.ge [sflag:s10], $0x10000;
	vm1 =	veq.s32 v4, v0;
	v4 =	vmov s21  }
0x13f: {  	[sflag:s10] =	ssyncset.done $0x0;
	v3 =	vsel vm1, v5, v3;
	vm1 =	veq.s32 v4, v0  }
0x140: {  	s14 =	sand.u32 @!p0 $0xF0, s14;
	[sflag:s10] =	ssyncadd.s32 $0xFFFF0000;
	v3 =	vsel vm1, v6, v3  }
0x141: {  	[tilespmem:s14+$0x400] =	vst @!p0 v3  }
0x142: {  	s12 =	rddreg [dreg:$0x15];
	s13 =	simm.s32 $0x400  }
0x143: {  	[hbm4b:s12+s17] =	stream.linear.scatter [tilespmem:s13], [sflag:$0x2], $0x100, $0x38;
	[tilespmem:$0x10500] =	vst v63  }
0x144: {  	_ =	swait.ge [sflag:s10], $0x100  }
0x145: {  	s20 =	rddreg [dreg:$0x17]  }
0x146: {  	s21 =	rddreg [dreg:$0x16];
	s13 =	sadd.s32 $0x1, s20  }
0x147: {  	p0 =	sne.s32 s13, s21  }
.Ltmp10:
0x148: {  	_ = 	snop;
	(pc) =	sbr.rel @p0 .LBB2_1-.Ltmp10, $3  }
0x149: {  	_ =	sdelay $0x1  }
0x14a: {  	[sflag:s10] =	ssyncset.done $0x0  }
0x14b: {  	s15 =	simm.s32 $0x100;
	[sflag:s10] =	ssyncadd.s32 $0xFFFFFF00  }
0x14c: {  	_ =	sfence.sel $0x180000  }
0x14d: {  	[bflag:$0x0] =	sbarrier.arrive $0xFFFF  }
0x14e: {  	_ =	strace $0x9000004A  }
0x14f: {  	s0 =	stileid.u32;
	[bflag:$0x2] =	sbarrier.arrive $0xFFFF  }
0x150: {  	p0 =	sne.s32 s0, $0x0;
	s0 =	rddreg [dreg:$0x3]  }
0x151: {  	s0 =	sadd.s32 @!p0 $0x100000, s0  }
0x152: {  	[sflag:s0] =	ssyncadd.tile.s32 @!p0 $0x1;
	_ =	shalt  }
.Lfunc_end2:
_tile_overlayer_lowered:
.L_overlay_start_2:
0x153: {  	(tag) =	ssettag $0x2  }
0x154: {  	s0 =	rddreg [dreg:$0x0];
	s2 =	stileid.u32  }
0x155: {  	s1 =	rddreg [dreg:$0x1];
	p0 =	sne.s32 s2, $0x0  }
0x156: {  	s3 =	rddreg [dreg:$0x2];
	[bflag:$0x3] =	sbarrier.arrive $0xFFFF;
	s2 =	simm.s32 @!p0 $0x1C02  }
0x157: {  	[timem:s3], [sflag:s2] =	dma.local @!p0 [hbm:s0], s1  }
0x158: {  	s0 =	simm.s32 @!p0 $0x2  }
0x159: {  	_ =	swait.ge @!p0 [sflag:s0], s1  }
0x15a: {  	s1 =	ssub.s32 @!p0 $0x0, s1;
	[sflag:s0] =	ssyncset.done @!p0 $0x0  }
0x15b: {  	[sflag:s0] =	ssyncadd.s32 @!p0 s1  }
0x15c: {  	[bflag:$0x3] =	sbarrier.arrive $0xFFFF  }
0x15d: {  	_ =	shalt  }

// kernel: sparse-core-data-format-call.cloned.1.call-start
scs
called_computation_lowered:
.L_overlay_start_0:
0x0: {  	s2 =	sld [smem:$0x3FD9]  }
0x1: {  	s3 =	sld [smem:$0x3FFE];
	_ =	sdelay $0x1  }
0x2: {  	s1 =	srdreg.scid  }
0x3: {  	s0 =	sand.u32 $0x1, s1  }
0x4: {  	s18 =	sshll.u32 s0, $0xA;
	s2 =	sadd.s32 s3, s2  }
0x5: {  	s2 =	sadd.s32 s2, s18  }
0x6: {  	[smem:$0x3FC5] =	sst s2  }
0x7: {  	_ = 	snop  }
0x8: {  	s2 =	sld [smem:$0x3FC7];
	(tm) =	ssettm $0x1  }
0x9: {  	s19 =	sld [smem:$0x3FFB];
	_ =	sdelay $0x3  }
0xa: {  	_ =	strace s19  }
0xb: {  	s3 =	sld [smem:$0x3FFC];
	_ =	sdelay $0x3  }
0xc: {  	_ =	strace s3  }
0xd: {  	s3 =	sld [smem:$0x3FFD];
	_ =	sdelay $0x3  }
0xe: {  	_ =	strace s3  }
0xf: {  	_ =	strace $0x8FFFFFFF  }
0x10: {  	s20 =	sld [smem:$0x3FDB];
	_ =	sdelay $0x1  }
0x11: {  	s4 =	simm.s32 $_scs_section_size  }
0x12: {  	s5 =	simm.s32 $_size__tile_overlayer_lowered;
	s6 =	simm.s32 $_tile_overlayer_lowered  }
0x13: {  	s23 =	simm.s32 $0x1BFF;
	s22 =	sshll.u32 s6, $0x1;
	s3 =	sadd.s32 s4, s20  }
0x14: {  	s7 =	simm.s32 $0x0;
	s21 =	sshll.u32 s5, $0x1;
	s5 =	sadd.s32 s22, s3  }
0x15: {  	[timem:s7], [sflag:s23] =	dma.local [hbm:s5], s21  }
0x16: {  	_ =	swait.ge [sflag:s23], s21  }
0x17: {  	s4 =	ssub.s32 $0x0, s21;
	[sflag:s23] =	ssyncset.done $0x0  }
0x18: {  	[sflag:s23] =	ssyncadd.s32 s4;
	_ =	sdelay $0x1  }
0x19: {  	s24 =	simm.s32 $0x1B8B  }
0x1a: {  	_ =	swait.ge [sflag:s24], $0x1  }
0x1b: {  	[sflag:s24] =	ssyncset.done $0x0  }
0x1c: {  	s26 =	simm.s32 $0x1B8E;
	s25 =	sld [smem:$0x3FFE];
	[sflag:s24] =	ssyncadd.s32 $0xFFFFFFFF  }
0x1d: {  	s27 =	simm.s32 $execute0_lowered;
	[smem:$0x3FD2] =	sst s26  }
0x1e: {  	s5 =	sshll.u32 s27, $0x1;
	_ =	strace $0x80000046;
	[dreg:$0x1] =	wrdreg $0xFFFFFFFF  }
0x1f: {  	s28 =	simm.s32 $_size_execute0_lowered;
	s3 =	sadd.s32 s3, s5;
	[dreg:$0x0] =	wrdreg $0x0  }
0x20: {  	s5 =	sshll.u32 s28, $0x1;
	[dreg:$0x2] =	wrdreg s3  }
0x21: {  	[dreg:$0x3] =	wrdreg s5  }
0x22: {  	[dreg:$0x4] =	wrdreg $0xC0  }
0x23: {  	_ =	task [dreg:s7], $0x5FFFF  }
0x24: {  	[dreg:$0x1] =	wrdreg $0xFFFFFFFF  }
0x25: {  	[dreg:$0x0] =	wrdreg $0x60  }
0x26: {  	[dreg:$0x2] =	wrdreg s2  }
0x27: {  	[dreg:$0x3] =	wrdreg s25  }
0x28: {  	[dreg:$0x4] =	wrdreg $0x9  }
0x29: {  	_ =	task.clear_ibuf [dreg:s7], $0x5FFFF;
	_ =	strace $0x90000046  }
0x2a: {  	s29 =	simm.s32 $0x9;
	_ =	strace $0x80000048  }
0x2b: {  	_ =	swait.ge [sflag:s29], $0x1  }
0x2c: {  	[sflag:s29] =	ssyncadd.s32 $0xFFFFFFFF  }
0x2d: {  	_ =	strace $0x90000048  }
0x2e: {  	_ =	sfence  }
0x2f: {  	s30 =	sld [smem:$0x0];
	_ =	sdelay $0x2  }
0x30: {  	s31 =	sshll.u32 s1, $0xD;
	s1 =	sshrl.u32 s1, $0x2  }
0x31: {  	s3 =	sand.u32 $0x4000, s31;
	s1 =	sadd.s32 s1, s30  }
0x32: {  	s0 =	sor.u32 s3, s0;
	s1 =	sshll.u32 s1, $0x11  }
0x33: {  	s0 =	sor.u32 s1, s0  }
0x34: {  	s0 =	sadd.s32 $0x8F2B, s0  }
0x35: {  	[sflag:s0] =	ssyncadd.remote.s32 $0x1  }
0x36: {  	_ =	sfence.sel $0xFFFF  }
0x37: {  	[dreg:$0x0] =	wrdreg $0xFFFFFFFF;
	(pc) =	sbr.abs _section_cstart, $3  }
0x38: {  	[dreg:$0x1] =	wrdreg $0xFFFFFFFF  }
0x39: {  	_ =	task.clear_ibuf [dreg:s7], $0x2FFFF;
	_ =	strace $0x9FFFFFFF  }
0x3a: {  	(tm) =	ssettm $0x7FFFFFFF  }
0x3b: {  	_ =	shalt  }
tec
execute0_lowered:
.L_overlay_start_1:
0x0: {  	(tag) =	ssettag $0x1  }
0x1: {  	s2 =	rddreg [dreg:$0x0]  }
0x2: {  	s1 =	rddreg [dreg:$0x1]  }
0x3: {  	s0 =	rddreg [dreg:$0x2];
	_ =	strace $0x80000047;
	s4 =	srdreg.scid  }
0x4: {  	s6 =	simm.s32 $0x2;
	s11 =	simm.s32 $0x0;
	p0 =	por $0x0, $0x0  }
.Ltmp0:
0x5: {  	s7 =	simm.s32 $0x2000;
	s12 =	simm.s32 $0x0;
	(pc) =	sbr.rel .LBB1_1-.Ltmp0, $4  }
0x6: {  	s9 =	simm.s32 $0x0;
	s3 =	sadd.s32 $0x1600, s1;
	s5 =	sshll.u32 s4, $0x4  }
0x7: {  	s1 =	stileid.u32;
	s4 =	simm.s32 $0x1;
	s5 =	sand.u32 $0x10, s5  }
0x8: {  	s8 =	simm.s32 $0x0;
	[sflag:s4] =	ssyncpa.u1 $0x0;
	s5 =	sor.u32 s1, s5  }
0x9: {  	[sflag:s6] =	ssyncpa.u1 $0x0;
	s6 =	simm.s32 $0x800;
	s10 =	smov.u32 s5  }
.LBB1_7:
0xa: {  	s13 =	sadd.s32 $0x10, s9  }
0xb: {  	s11 =	sadd.s32 $0x20, s10;
	s15 =	smov.u32 s10;
	p2 =	sgt.s32 s13, $0x3F  }
0xc: {  	p1 =	slt.u32 s8, $0x2;
	s15 =	smov.u32 @p2 s11  }
0xd: {  	s8 =	sadd.s32 $0x1, s8;
	s13 =	simm.s32 @p2 $0x0;
	p2 =	sgt.s32 s15, $0x3FF  }
0xe: {  	s15 =	smov.u32 @p2 s5;
	p2 =	sne.s32 s8, $0x82  }
.Ltmp1:
0xf: {  	_ = 	snop;
	(pc) =	sbr.rel @!p2 .LBB1_8-.Ltmp1, $4  }
0x10: {  	s14 =	simm.s32 @!p1 $0x2  }
0x11: {  	s12 =	smov.u32 s10;
	_ =	swait.ge @!p1 [sflag:s14], $0x4000  }
0x12: {  	p0 =	por !p0, !p0;
	s11 =	smov.u32 s9;
	[sflag:s14] =	ssyncset.done @!p1 $0x0  }
0x13: {  	s9 =	smov.u32 s13;
	[sflag:s14] =	ssyncadd.s32 @!p1 $0xFFFFC000;
	s10 =	smov.u32 s15  }
.LBB1_1:
0x14: {  	p1 =	sgt.u32 s8, $0x7F  }
0x15: {  	s13 =	sxor.u32 @!p1 $0xFFFFFFFF, s8;
	s14 =	sshll.u32 @!p1 s10, $0xD  }
0x16: {  	s15 =	sshll.u32 @!p1 s9, $0x7;
	s13 =	sshll.u32 @!p1 s13, $0xE;
	s14 =	sadd.s32 @!p1 s2, s14  }
0x17: {  	s13 =	sand.u32 @!p1 $0x4000, s13;
	s14 =	sadd.s32 @!p1 s15, s14;
	s15 =	simm.s32 @!p1 $0x0  }
0x18: {  	[tilespmem:s13], [sflag:$0x1] =	stream.linear.gather @!p1 [hbm4b:s14+s15], $0x4000, $0x38;
	[tilespmem:$0x10000] =	vst v63  }
0x19: {  	p1 =	seq.s32 s8, $0x0  }
0x1a: {  	p2 =	seq.s32 @!p1 s8, $0x81  }
0x1b: {  	p1 =	por p1, p2  }
.Ltmp2:
0x1c: {  	_ = 	snop;
	(pc) =	sbr.rel @p1 .LBB1_7-.Ltmp2, $1  }
0x1d: {  	_ =	sdelay $0x3  }
0x1e: {  	s13 =	simm.s32 $0x1;
	_ =	swait.ge [sflag:s4], $0x4000;
	s16 =	sshll.u32 s8, $0xE  }
0x1f: {  	s13 =	simm.s32 @!p0 $0x0;
	[sflag:s4] =	ssyncset.done $0x0;
	s31 =	sand.u32 $0x4000, s16  }
0x20: {  	s16 =	simm.s32 $0x0;
	s14 =	sshll.u32 s13, $0xE;
	[sflag:s4] =	ssyncadd.s32 $0xFFFFC000  }
0x21: {  	s13 =	sor.u32 $0x8040, s14;
	s15 =	sor.u32 $0x40, s14;
	s14 =	sor.u32 $0x8000, s31  }
.LBB1_3:
0x22: {  	v0 =	vmov s15;
	_ =	sdelay $0x3  }
0x23: {  	s18 =	simm.s32 $0x0  }
0x24: {  	v6 =	vld.idx.msk [tilespmem:v0+s18+$0x30 ss:$0x1], $0xffff  }
0x25: {  	v7 =	vld.idx.msk [tilespmem:v0+s18+$0xFFFFFFC0 ss:$0x1], $0xffff  }
0x26: {  	v5 =	vld.idx.msk [tilespmem:v0+s18+$0xFFFFFFD0 ss:$0x1], $0xffff  }
0x27: {  	v4 =	vld.idx.msk [tilespmem:v0+s18+$0xFFFFFFE0 ss:$0x1], $0xffff  }
0x28: {  	v3 =	vld.idx.msk [tilespmem:v0+s18+$0xFFFFFFF0 ss:$0x1], $0xffff  }
0x29: {  	v1 =	vld.idx.msk [tilespmem:v0+s18+$0x0 ss:$0x1], $0xffff  }
0x2a: {  	v2 =	vld.idx.msk [tilespmem:v0+s18+$0x10 ss:$0x1], $0xffff;
	[tilespmem:s13+$0x30] =	vst v6  }
0x2b: {  	s17 =	simm.s32 $0x80;
	s19 =	simm.s32 $0x400;
	[tilespmem:s13+$0xFFFFFFC0] =	vst v7;
	v6 =	vld.idx.msk [tilespmem:v0+s18+$0x20 ss:$0x1], $0xffff;
	s18 =	smov.u32 s13  }
.LBB1_4:
0x2c: {  	p1 =	sne.s32 s19, $0xE00;
	v7 =	vld.idx.msk [tilespmem:v0+s17+$0x30 ss:$0x1], $0xffff;
	[tilespmem:s18+$0xFFFFFFD0] =	vst v5  }
0x2d: {  	v8 =	vld.idx.msk [tilespmem:v0+s17+$0xFFFFFFC0 ss:$0x1], $0xffff;
	[tilespmem:s18+$0xFFFFFFE0] =	vst v4  }
0x2e: {  	v5 =	vld.idx.msk [tilespmem:v0+s17+$0xFFFFFFD0 ss:$0x1], $0xffff;
	[tilespmem:s18+$0xFFFFFFF0] =	vst v3  }
.Ltmp3:
0x2f: {  	v4 =	vld.idx.msk [tilespmem:v0+s17+$0xFFFFFFE0 ss:$0x1], $0xffff;
	[tilespmem:s18+$0x0] =	vst v1;
	(pc) =	sbr.rel @p1 .LBB1_4-.Ltmp3, $4  }
0x30: {  	v3 =	vld.idx.msk [tilespmem:v0+s17+$0xFFFFFFF0 ss:$0x1], $0xffff;
	[tilespmem:s18+$0x10] =	vst v2  }
0x31: {  	v1 =	vld.idx.msk [tilespmem:v0+s17+$0x0 ss:$0x1], $0xffff;
	[tilespmem:s18+$0x20] =	vst v6;
	s18 =	sadd.s32 $0x800, s18  }
0x32: {  	v2 =	vld.idx.msk [tilespmem:v0+s17+$0x10 ss:$0x1], $0xffff;
	[tilespmem:s18+$0x30] =	vst v7  }
0x33: {  	[tilespmem:s18+$0xFFFFFFC0] =	vst v8;
	v6 =	vld.idx.msk [tilespmem:v0+s17+$0x20 ss:$0x1], $0xffff;
	s17 =	sshra.s32 s19, $0x2;
	s19 =	sadd.s32 $0x200, s19  }
0x34: {  	_ =	sdelay $0x2  }
0x35: {  	[tilespmem:s18+$0xFFFFFFD0] =	vst v5  }
0x36: {  	v56 =	vld.idx.msk [tilespmem:v0+s17+$0x30 ss:$0x1], $0xffff;
	[tilespmem:s18+$0xFFFFFFE0] =	vst v4  }
0x37: {  	v57 =	vld.idx.msk [tilespmem:v0+s17+$0xFFFFFFC0 ss:$0x1], $0xffff;
	[tilespmem:s18+$0xFFFFFFF0] =	vst v3  }
0x38: {  	v58 =	vld.idx.msk [tilespmem:v0+s17+$0xFFFFFFD0 ss:$0x1], $0xffff;
	[tilespmem:s18+$0x0] =	vst v1  }
0x39: {  	v59 =	vld.idx.msk [tilespmem:v0+s17+$0xFFFFFFE0 ss:$0x1], $0xffff;
	[tilespmem:s18+$0x10] =	vst v2  }
0x3a: {  	v60 =	vld.idx.msk [tilespmem:v0+s17+$0xFFFFFFF0 ss:$0x1], $0xffff;
	s31 =	sadd.s32 $0x800, s18;
	[tilespmem:s18+$0x20] =	vst v6  }
0x3b: {  	v61 =	vld.idx.msk [tilespmem:v0+s17+$0x0 ss:$0x1], $0xffff;
	[tilespmem:s31+$0x30] =	vst v56  }
0x3c: {  	v62 =	vld.idx.msk [tilespmem:v0+s17+$0x10 ss:$0x1], $0xffff;
	s16 =	sadd.s32 $0x1, s16;
	[tilespmem:s31+$0xFFFFFFC0] =	vst v57  }
0x3d: {  	v63 =	vld.idx.msk [tilespmem:v0+s17+$0x20 ss:$0x1], $0xffff;
	p1 =	sne.s32 s16, $0x10;
	[tilespmem:s31+$0xFFFFFFD0] =	vst v58  }
.Ltmp4:
0x3e: {  	[tilespmem:s31+$0xFFFFFFE0] =	vst v59;
	(pc) =	sbr.rel @p1 .LBB1_3-.Ltmp4, $4  }
0x3f: {  	[tilespmem:s31+$0xFFFFFFF0] =	vst v60  }
0x40: {  	[tilespmem:s31+$0x0] =	vst v61  }
0x41: {  	[tilespmem:s31+$0x10] =	vst v62  }
0x42: {  	s13 =	sadd.s32 $0x80, s13;
	s15 =	sadd.s32 $0x400, s15;
	[tilespmem:s31+$0x20] =	vst v63  }
.Ltmp5:
0x43: {  	(pc) =	sbr.rel .LBB1_7-.Ltmp5, $4  }
0x44: {  	s12 =	sshll.u32 s12, $0xD;
	s11 =	sshll.u32 s11, $0x4  }
0x45: {  	s11 =	sand.u32 $0x3F0, s11;
	s12 =	sadd.s32 s3, s12  }
0x46: {  	s11 =	sadd.s32 s11, s12  }
0x47: {  	[hbm4b:s11+s6] =	stream.strided.scatter [tilespmem:s14], [sflag:$0x2], $0x4000, s7, s6, $0x38;
	[tilespmem:$0x10000] =	vst v63  }
.LBB1_8:
0x48: {  	_ =	sfence.sel $0x180000  }
0x49: {  	s2 =	simm.s32 $0x1;
	[bflag:$0x0] =	sbarrier.arrive $0xFFFF  }
0x4a: {  	s31 =	simm.s32 $0x2;
	[sflag:s2] =	ssyncpa.u1 $0x1  }
0x4b: {  	[sflag:s31] =	ssyncpa.u1 $0x1  }
0x4c: {  	p0 =	sne.s32 s1, $0x0;
	_ =	strace $0x90000047  }
0x4d: {  	s0 =	sadd.s32 @!p0 $0x100000, s0;
	[bflag:$0x2] =	sbarrier.arrive $0xFFFF  }
0x4e: {  	[sflag:s0] =	ssyncadd.tile.s32 @!p0 $0x1;
	_ =	shalt  }
.Lfunc_end1:
_tile_overlayer_lowered:
.L_overlay_start_2:
0x4f: {  	(tag) =	ssettag $0x2  }
0x50: {  	s0 =	rddreg [dreg:$0x0];
	s2 =	stileid.u32  }
0x51: {  	s1 =	rddreg [dreg:$0x1];
	p0 =	sne.s32 s2, $0x0  }
0x52: {  	s3 =	rddreg [dreg:$0x2];
	[bflag:$0x3] =	sbarrier.arrive $0xFFFF;
	s2 =	simm.s32 @!p0 $0x1C01  }
0x53: {  	[timem:s3], [sflag:s2] =	dma.local @!p0 [hbm:s0], s1  }
0x54: {  	s0 =	simm.s32 @!p0 $0x1  }
0x55: {  	_ =	swait.ge @!p0 [sflag:s0], s1  }
0x56: {  	s1 =	ssub.s32 @!p0 $0x0, s1;
	[sflag:s0] =	ssyncset.done @!p0 $0x0  }
0x57: {  	[sflag:s0] =	ssyncadd.s32 @!p0 s1  }
0x58: {  	[bflag:$0x3] =	sbarrier.arrive $0xFFFF  }
0x59: {  	_ =	shalt  }

</sc_bundles>
